<compile_context>
chip_gen: v7x
topology: tpu7x:2x2x1
jax: 0.10.2.dev20260603
libtpu: 0.0.44.dev20260713+nightly
codegen_flags: <defaults>
</compile_context>

<pallas_src>
import functools

import jax
import jax.numpy as jnp
import numpy as np
from jax import lax
from jax.experimental import pallas as pl
from jax.experimental.pallas import tpu as pltpu
from jax.experimental.pallas import tpu_sc as plsc

PRUNE_KEEP = 1.0 - 0.6
LANES = 16
INT32_MIN = np.int32(-2147483648)



def _reduce_body(x_ref, o_ref, *, denom):
    i = pl.program_id(0)

    @pl.when(i == 0)
    def _init():
        o_ref[...] = jnp.zeros_like(o_ref)

    o_ref[...] += jnp.sum(x_ref[...], axis=1, keepdims=True)

    @pl.when(i == pl.num_programs(0) - 1)
    def _scale():
        o_ref[...] = o_ref[...] / jnp.float32(denom)


def _mean_scores_row(probes, row):
    _, r_total, s = probes.shape
    block_r = 1024
    grid = (r_total // block_r,)
    out = pl.pallas_call(
        functools.partial(_reduce_body, denom=r_total),
        grid=grid,
        in_specs=[pl.BlockSpec((1, block_r, s), lambda i: (row, i, 0))],
        out_specs=pl.BlockSpec((1, 1, s), lambda i: (0, 0, 0)),
        out_shape=jax.ShapeDtypeStruct((1, 1, s), jnp.float32),
    )(probes)
    return out.reshape(1, s)



def _perm(v, idx):
    return v.at[idx].get(mode="promise_in_bounds")


def _vreduce_sum(v):
    iota = lax.iota(jnp.int32, LANES)
    for sft in (8, 4, 2, 1):
        v = v + _perm(v, iota ^ sft)
    return v


def _vcumsum(v):
    iota = lax.iota(jnp.int32, LANES)
    zero = jnp.zeros_like(v)
    for sft in (1, 2, 4, 8):
        g = _perm(v, jnp.maximum(iota - sft, 0))
        v = v + jnp.where(iota >= sft, g, zero)
    return v


def _select_body(scores_hbm, mask_hbm, out_hbm, scores_v, mask_v, keys_v,
                 out_v, *, bs, s):
    chunks = s // LANES
    nc = 2
    cid = lax.axis_index("c")
    sid = lax.axis_index("s")
    wid = sid * nc + cid

    @pl.when(wid < bs)
    def _row():
        b = wid
        pltpu.sync_copy(scores_hbm.at[b], scores_v)
        pltpu.sync_copy(mask_hbm.at[b], mask_v)

        ones_i = jnp.ones((LANES,), jnp.int32)
        zeros_i = jnp.zeros((LANES,), jnp.int32)

        def _msum(i, acc):
            m = mask_v[pl.ds(i * LANES, LANES)]
            return acc + jnp.where(m != 0.0, ones_i, zeros_i)

        total_i = _vreduce_sum(lax.fori_loop(0, chunks, _msum, zeros_i))
        sep = total_i - 1
        k = (total_i.astype(jnp.float32) *
             jnp.float32(PRUNE_KEEP)).astype(jnp.int32)

        def _mkkeys(i, carry):
            x = scores_v[pl.ds(i * LANES, LANES)]
            u = lax.bitcast_convert_type(x, jnp.int32)
            sgn = lax.shift_right_arithmetic(u, 31)
            key = u ^ (sgn & jnp.int32(0x7FFFFFFF))
            gidx = i * LANES + lax.iota(jnp.int32, LANES)
            excl = (gidx == 0) | (gidx == sep)
            keys_v[pl.ds(i * LANES, LANES)] = jnp.where(
                excl, jnp.full((LANES,), INT32_MIN, jnp.int32), key)
            return carry

        lax.fori_loop(0, chunks, _mkkeys, jnp.int32(0))

        def _count_ge(cand_s):
            def _c(i, acc):
                kc = keys_v[pl.ds(i * LANES, LANES)]
                return acc + jnp.where(kc >= cand_s, ones_i, zeros_i)

            return _vreduce_sum(lax.fori_loop(0, chunks, _c, zeros_i))

        def _bit(t, p):
            bit = lax.shift_left(jnp.int32(1), 31 - t)
            cand = p | bit
            cnt = _count_ge(cand ^ INT32_MIN)
            return jnp.where(cnt >= k, cand, p)

        p_final = lax.fori_loop(0, 32, _bit, zeros_i)
        t_s = p_final ^ INT32_MIN

        def _cgt(i, accs):
            a_gt, a_valid = accs
            kc = keys_v[pl.ds(i * LANES, LANES)]
            return (a_gt + jnp.where(kc > t_s, ones_i, zeros_i),
                    a_valid + jnp.where(kc > INT32_MIN, ones_i, zeros_i))

        acc_gt, acc_valid = lax.fori_loop(0, chunks, _cgt, (zeros_i, zeros_i))
        cnt_gt = _vreduce_sum(acc_gt)
        valid_cnt = _vreduce_sum(acc_valid)
        need = k - cnt_gt
        fallback = (valid_cnt == 0) | (k <= 0)

        def _emit(i, carry):
            kc = keys_v[pl.ds(i * LANES, LANES)]
            eq = kc == t_s
            eqi = jnp.where(eq, ones_i, zeros_i)
            rank = carry + _vcumsum(eqi)
            tie = eq & (rank <= need)
            gidx = i * LANES + lax.iota(jnp.int32, LANES)
            force = (gidx == 0) | (gidx == sep)
            sel = (kc > t_s) | tie | force
            row = jnp.where(sel, jnp.ones((LANES,), jnp.float32),
                            jnp.zeros((LANES,), jnp.float32))
            mrow = mask_v[pl.ds(i * LANES, LANES)]
            out_v[pl.ds(i * LANES, LANES)] = jnp.where(fallback, mrow, row)
            return carry + _vreduce_sum(eqi)

        lax.fori_loop(0, chunks, _emit, zeros_i)
        pltpu.sync_copy(out_v, out_hbm.at[b])


def _select_sc(scores, mask2):
    bs, s = scores.shape
    mesh = plsc.VectorSubcoreMesh(core_axis_name="c", subcore_axis_name="s")
    kern = functools.partial(
        pl.kernel,
        mesh=mesh,
        out_type=jax.ShapeDtypeStruct((bs, s), jnp.float32),
        scratch_types=[
            pltpu.VMEM((s,), jnp.float32),
            pltpu.VMEM((s,), jnp.float32),
            pltpu.VMEM((s,), jnp.int32),
            pltpu.VMEM((s,), jnp.float32),
        ],
    )(functools.partial(_select_body, bs=bs, s=s))
    return kern(scores, mask2)


def kernel(layer_attention_probes, mask):
    bs, h, s_rows, s = layer_attention_probes.shape
    probes = layer_attention_probes.reshape(bs, h * s_rows, s)
    mask2 = mask.reshape(bs, s)
    rows = []
    for b in range(bs):
        scores_b = _mean_scores_row(probes, b)
        rows.append(_select_sc(scores_b, mask2[b:b + 1]))
    return jnp.concatenate(rows, axis=0)

# --- scband reference (transcript-rebuilt; emitter-appended) ---
"""Pipeline reference for scband-static-pruner-47991964566142 (READ-ONLY COPY).

The authoritative reference and input builder live on the scoring server;
editing this copy changes nothing except your own understanding.
"""

import jax, jax.numpy as jnp
import numpy as np

PRUNING_RATIO = 0.6

def setup_inputs(seed: int = 0) -> dict:
    key = jax.random.key(seed)
    k1 = jax.random.fold_in(key, 1)
    layer_attention_probes = jax.random.normal(k1, (2, 12, 2048, 2048), dtype=jnp.float32)
    mask = jnp.ones((2, 1, 1, 2048), dtype=jnp.float32)
    return {"layer_attention_probes": layer_attention_probes, "mask": mask}

def reference(layer_attention_probes, mask):
    # attention_scores = probes.mean(dim=1).mean(dim=1) -> [bs, seq_len]
    attention_scores = jnp.mean(jnp.mean(layer_attention_probes, axis=1), axis=1)
    mask_squeezed = mask[:, 0, 0, :]
    bs, seq_len = mask_squeezed.shape
    sep_pos = (jnp.sum(mask_squeezed, axis=1) - 1).astype(jnp.int32)  # [bs]
    attention_scores = attention_scores.at[:, 0].set(jnp.nan)
    rows = jnp.arange(bs)
    attention_scores = attention_scores.at[rows, sep_pos].set(jnp.nan)
    updated_mask = jnp.zeros_like(mask_squeezed)
    k = (jnp.sum(mask_squeezed, axis=1) * (1.0 - PRUNING_RATIO)).astype(jnp.int32)
    k_static = int(seq_len * (1.0 - PRUNING_RATIO))
    for i in range(bs):
        valid_scores = attention_scores[i]
        valid = ~jnp.isnan(valid_scores)
        valid_count = jnp.sum(valid)
        ki = k[i]
        masked_scores = jnp.where(valid, valid_scores, -jnp.inf)
        _, topk_idx = jax.lax.top_k(masked_scores, k_static)
        keep = (jnp.arange(k_static) < ki).astype(mask_squeezed.dtype)
        row = jnp.zeros((seq_len,), dtype=mask_squeezed.dtype)
        row = row.at[topk_idx].set(keep)
        row = row.at[0].set(1.0)
        row = row.at[sep_pos[i]].set(1.0)
        fallback = (valid_count == 0) | (ki <= 0)
        row = jnp.where(fallback, mask_squeezed[i], row)
        updated_mask = updated_mask.at[i, :].set(row)
    return updated_mask

if __name__ == "__main__":
    import jax
    _d = setup_inputs()
    print(jax.jit(kernel)(*tuple(_d.values())))

</pallas_src>

<mosaic_0001>
#map = affine_map<(d0, d1) -> (0, 0)>
module attributes {stable_mosaic.version = 14 : i64} {
  func.func @_select_body(%arg0: i32, %arg1: i32, %arg2: memref<1x2048xf32, #tpu.memory_space<hbm>>, %arg3: memref<1x2048xf32, #tpu.memory_space<hbm>>, %arg4: memref<1x2048xf32, #tpu.memory_space<hbm>>, %arg5: memref<2048xf32, #tpu.memory_space<vmem>>, %arg6: memref<2048xf32, #tpu.memory_space<vmem>>, %arg7: memref<2048xi32, #tpu.memory_space<vmem>>, %arg8: memref<2048xf32, #tpu.memory_space<vmem>>) attributes {dimension_semantics = [#tpu.dimension_semantics<core_parallel>, #tpu.dimension_semantics<subcore_parallel>], iteration_bounds = array<i64: 2, 16>, scalar_prefetch = 0 : i64, scratch_operands = 4 : i64, tpu.core_type = #tpu.core_type<sc_vector_subcore>, window_params = [{transform_indices = #map}, {transform_indices = #map}, {transform_indices = #map}]} {
    %mul3A = arith.constant 2 : i32
    %mul3A_0 = arith.muli %arg1, %mul3A : i32
    %add3A = arith.addi %mul3A_0, %arg0 : i32
    %lt3A = arith.constant 1 : i32
    %lt3A_1 = arith.cmpi slt, %add3A, %lt3A : i32
    %convert_element_type3A = arith.extui %lt3A_1 : i1 to i32
    %cond3A = arith.constant 0 : i32
    %cond3A_2 = arith.cmpi ne, %convert_element_type3A, %cond3A : i32
    scf.if %cond3A_2 {
      "tpu.region"() ({
        %run_scoped3A = tpu.sem_alloc : memref<!tpu.dma_semaphore, #tpu.memory_space<semaphore_mem>>
        %dma_start3A = arith.constant 0 : i32
        %dma_start3A_217 = tpu.memref_slice %arg2[%add3A, %dma_start3A] : memref<1x2048xf32, #tpu.memory_space<hbm>> -> memref<1x2048xf32, #tpu.memory_space<hbm>>
        %dma_start3A_218 = tpu.memref_squeeze %dma_start3A_217 : memref<1x2048xf32, #tpu.memory_space<hbm>> -> memref<2048xf32, #tpu.memory_space<hbm>>
        %dma_start3A_219 = arith.constant 0 : i32
        %dma_start3A_220 = tpu.memref_slice %arg2[%add3A, %dma_start3A_219] : memref<1x2048xf32, #tpu.memory_space<hbm>> -> memref<1x2048xf32, #tpu.memory_space<hbm>>
        %dma_start3A_221 = tpu.memref_squeeze %dma_start3A_220 : memref<1x2048xf32, #tpu.memory_space<hbm>> -> memref<2048xf32, #tpu.memory_space<hbm>>
        tpu.enqueue_dma source(%dma_start3A_221 : memref<2048xf32, #tpu.memory_space<hbm>>) target(%arg5 : memref<2048xf32, #tpu.memory_space<vmem>>) target_semaphore(%run_scoped3A : memref<!tpu.dma_semaphore, #tpu.memory_space<semaphore_mem>>)
        %dma_wait3A = arith.constant 0 : i32
        %dma_wait3A_222 = tpu.memref_slice %arg2[%add3A, %dma_wait3A] : memref<1x2048xf32, #tpu.memory_space<hbm>> -> memref<1x2048xf32, #tpu.memory_space<hbm>>
        %dma_wait3A_223 = tpu.memref_squeeze %dma_wait3A_222 : memref<1x2048xf32, #tpu.memory_space<hbm>> -> memref<2048xf32, #tpu.memory_space<hbm>>
        %dma_wait3A_224 = arith.constant 0 : i32
        %dma_wait3A_225 = tpu.memref_slice %arg2[%add3A, %dma_wait3A_224] : memref<1x2048xf32, #tpu.memory_space<hbm>> -> memref<1x2048xf32, #tpu.memory_space<hbm>>
        %dma_wait3A_226 = tpu.memref_squeeze %dma_wait3A_225 : memref<1x2048xf32, #tpu.memory_space<hbm>> -> memref<2048xf32, #tpu.memory_space<hbm>>
        tpu.wait_dma2 semaphore(%run_scoped3A : memref<!tpu.dma_semaphore, #tpu.memory_space<semaphore_mem>>) src(%dma_wait3A_226 : memref<2048xf32, #tpu.memory_space<hbm>>) dst(%arg5 : memref<2048xf32, #tpu.memory_space<vmem>>)
        tpu.yield
      }) : () -> ()
      "tpu.region"() ({
        %run_scoped3A = tpu.sem_alloc : memref<!tpu.dma_semaphore, #tpu.memory_space<semaphore_mem>>
        %dma_start3A = arith.constant 0 : i32
        %dma_start3A_217 = tpu.memref_slice %arg3[%add3A, %dma_start3A] : memref<1x2048xf32, #tpu.memory_space<hbm>> -> memref<1x2048xf32, #tpu.memory_space<hbm>>
        %dma_start3A_218 = tpu.memref_squeeze %dma_start3A_217 : memref<1x2048xf32, #tpu.memory_space<hbm>> -> memref<2048xf32, #tpu.memory_space<hbm>>
        %dma_start3A_219 = arith.constant 0 : i32
        %dma_start3A_220 = tpu.memref_slice %arg3[%add3A, %dma_start3A_219] : memref<1x2048xf32, #tpu.memory_space<hbm>> -> memref<1x2048xf32, #tpu.memory_space<hbm>>
        %dma_start3A_221 = tpu.memref_squeeze %dma_start3A_220 : memref<1x2048xf32, #tpu.memory_space<hbm>> -> memref<2048xf32, #tpu.memory_space<hbm>>
        tpu.enqueue_dma source(%dma_start3A_221 : memref<2048xf32, #tpu.memory_space<hbm>>) target(%arg6 : memref<2048xf32, #tpu.memory_space<vmem>>) target_semaphore(%run_scoped3A : memref<!tpu.dma_semaphore, #tpu.memory_space<semaphore_mem>>)
        %dma_wait3A = arith.constant 0 : i32
        %dma_wait3A_222 = tpu.memref_slice %arg3[%add3A, %dma_wait3A] : memref<1x2048xf32, #tpu.memory_space<hbm>> -> memref<1x2048xf32, #tpu.memory_space<hbm>>
        %dma_wait3A_223 = tpu.memref_squeeze %dma_wait3A_222 : memref<1x2048xf32, #tpu.memory_space<hbm>> -> memref<2048xf32, #tpu.memory_space<hbm>>
        %dma_wait3A_224 = arith.constant 0 : i32
        %dma_wait3A_225 = tpu.memref_slice %arg3[%add3A, %dma_wait3A_224] : memref<1x2048xf32, #tpu.memory_space<hbm>> -> memref<1x2048xf32, #tpu.memory_space<hbm>>
        %dma_wait3A_226 = tpu.memref_squeeze %dma_wait3A_225 : memref<1x2048xf32, #tpu.memory_space<hbm>> -> memref<2048xf32, #tpu.memory_space<hbm>>
        tpu.wait_dma2 semaphore(%run_scoped3A : memref<!tpu.dma_semaphore, #tpu.memory_space<semaphore_mem>>) src(%dma_wait3A_226 : memref<2048xf32, #tpu.memory_space<hbm>>) dst(%arg6 : memref<2048xf32, #tpu.memory_space<vmem>>)
        tpu.yield
      }) : () -> ()
      %broadcast_in_dim3A = arith.constant 1 : i32
      %broadcast_in_dim3A_3 = vector.broadcast %broadcast_in_dim3A : i32 to vector<16xi32>
      %broadcast_in_dim3A_4 = arith.constant 0 : i32
      %broadcast_in_dim3A_5 = vector.broadcast %broadcast_in_dim3A_4 : i32 to vector<16xi32>
      %scan3A = arith.constant 0 : i32
      %scan3A_6 = arith.constant 128 : i32
      %scan3A_7 = arith.addi %scan3A, %scan3A_6 : i32
      %scan3A_8 = arith.constant 1 : i32
      %scan3A_9 = scf.for %scan3A_217 = %scan3A to %scan3A_7 step %scan3A_8 iter_args(%scan3A_218 = %broadcast_in_dim3A_5) -> (vector<16xi32>)  : i32 {
        %mul3A_219 = arith.constant 16 : i32
        %mul3A_220 = arith.muli %scan3A_217, %mul3A_219 : i32
        %get3A = arith.index_cast %mul3A_220 : i32 to index
        %get3A_221 = tpu.vector_load %arg6[%get3A] {strides = array<i32>} : memref<2048xf32, #tpu.memory_space<vmem>>, vector<16xf32>,
        %get3A_222 = vector.shape_cast %get3A_221 : vector<16xf32> to vector<16xf32>
        %ne3A = arith.constant 0.000000e+00 : f32
        %ne3A_223 = vector.broadcast %ne3A : f32 to vector<16xf32>
        %ne3A_224 = arith.cmpf one, %get3A_222, %ne3A_223 : vector<16xf32>
        %select_n3A_225 = arith.select %ne3A_224, %broadcast_in_dim3A_3, %broadcast_in_dim3A_5 : vector<16xi1>, vector<16xi32>
        %add3A_226 = arith.addi %scan3A_218, %select_n3A_225 : vector<16xi32>
        scf.yield %add3A_226 : vector<16xi32>
      }
      %scan3A_10 = arith.constant 128 : i32
      %iota3A = tpu.iota {dimensions = array<i32: 0>} : vector<16xi32>
      %xor3A = arith.constant 8 : i32
      %xor3A_11 = vector.broadcast %xor3A : i32 to vector<16xi32>
      %xor3A_12 = arith.xori %iota3A, %xor3A_11 : vector<16xi32>
      %lt3A_13 = arith.constant 0 : i32
      %lt3A_14 = vector.broadcast %lt3A_13 : i32 to vector<16xi32>
      %lt3A_15 = arith.cmpi slt, %xor3A_12, %lt3A_14 : vector<16xi32>
      %add3A_16 = arith.constant 16 : i32
      %add3A_17 = vector.broadcast %add3A_16 : i32 to vector<16xi32>
      %add3A_18 = arith.addi %xor3A_12, %add3A_17 : vector<16xi32>
      %select_n3A = arith.select %lt3A_15, %add3A_18, %xor3A_12 : vector<16xi1>, vector<16xi32>
      %broadcast_in_dim3A_19 = vector.shape_cast %select_n3A : vector<16xi32> to vector<16x1xi32>
      %gather3A = vector.shape_cast %broadcast_in_dim3A_19 : vector<16x1xi32> to vector<16xi32>
      %gather3A_20 = tpu.dynamic_gather %scan3A_9[%gather3A] in [0] : vector<16xi32>, vector<16xi32> -> vector<16xi32>
      %add3A_21 = arith.addi %scan3A_9, %gather3A_20 : vector<16xi32>
      %xor3A_22 = arith.constant 4 : i32
      %xor3A_23 = vector.broadcast %xor3A_22 : i32 to vector<16xi32>
      %xor3A_24 = arith.xori %iota3A, %xor3A_23 : vector<16xi32>
      %lt3A_25 = arith.constant 0 : i32
      %lt3A_26 = vector.broadcast %lt3A_25 : i32 to vector<16xi32>
      %lt3A_27 = arith.cmpi slt, %xor3A_24, %lt3A_26 : vector<16xi32>
      %add3A_28 = arith.constant 16 : i32
      %add3A_29 = vector.broadcast %add3A_28 : i32 to vector<16xi32>
      %add3A_30 = arith.addi %xor3A_24, %add3A_29 : vector<16xi32>
      %select_n3A_31 = arith.select %lt3A_27, %add3A_30, %xor3A_24 : vector<16xi1>, vector<16xi32>
      %broadcast_in_dim3A_32 = vector.shape_cast %select_n3A_31 : vector<16xi32> to vector<16x1xi32>
      %gather3A_33 = vector.shape_cast %broadcast_in_dim3A_32 : vector<16x1xi32> to vector<16xi32>
      %gather3A_34 = tpu.dynamic_gather %add3A_21[%gather3A_33] in [0] : vector<16xi32>, vector<16xi32> -> vector<16xi32>
      %add3A_35 = arith.addi %add3A_21, %gather3A_34 : vector<16xi32>
      %xor3A_36 = arith.constant 2 : i32
      %xor3A_37 = vector.broadcast %xor3A_36 : i32 to vector<16xi32>
      %xor3A_38 = arith.xori %iota3A, %xor3A_37 : vector<16xi32>
      %lt3A_39 = arith.constant 0 : i32
      %lt3A_40 = vector.broadcast %lt3A_39 : i32 to vector<16xi32>
      %lt3A_41 = arith.cmpi slt, %xor3A_38, %lt3A_40 : vector<16xi32>
      %add3A_42 = arith.constant 16 : i32
      %add3A_43 = vector.broadcast %add3A_42 : i32 to vector<16xi32>
      %add3A_44 = arith.addi %xor3A_38, %add3A_43 : vector<16xi32>
      %select_n3A_45 = arith.select %lt3A_41, %add3A_44, %xor3A_38 : vector<16xi1>, vector<16xi32>
      %broadcast_in_dim3A_46 = vector.shape_cast %select_n3A_45 : vector<16xi32> to vector<16x1xi32>
      %gather3A_47 = vector.shape_cast %broadcast_in_dim3A_46 : vector<16x1xi32> to vector<16xi32>
      %gather3A_48 = tpu.dynamic_gather %add3A_35[%gather3A_47] in [0] : vector<16xi32>, vector<16xi32> -> vector<16xi32>
      %add3A_49 = arith.addi %add3A_35, %gather3A_48 : vector<16xi32>
      %xor3A_50 = arith.constant 1 : i32
      %xor3A_51 = vector.broadcast %xor3A_50 : i32 to vector<16xi32>
      %xor3A_52 = arith.xori %iota3A, %xor3A_51 : vector<16xi32>
      %lt3A_53 = arith.constant 0 : i32
      %lt3A_54 = vector.broadcast %lt3A_53 : i32 to vector<16xi32>
      %lt3A_55 = arith.cmpi slt, %xor3A_52, %lt3A_54 : vector<16xi32>
      %add3A_56 = arith.constant 16 : i32
      %add3A_57 = vector.broadcast %add3A_56 : i32 to vector<16xi32>
      %add3A_58 = arith.addi %xor3A_52, %add3A_57 : vector<16xi32>
      %select_n3A_59 = arith.select %lt3A_55, %add3A_58, %xor3A_52 : vector<16xi1>, vector<16xi32>
      %broadcast_in_dim3A_60 = vector.shape_cast %select_n3A_59 : vector<16xi32> to vector<16x1xi32>
      %gather3A_61 = vector.shape_cast %broadcast_in_dim3A_60 : vector<16x1xi32> to vector<16xi32>
      %gather3A_62 = tpu.dynamic_gather %add3A_49[%gather3A_61] in [0] : vector<16xi32>, vector<16xi32> -> vector<16xi32>
      %add3A_63 = arith.addi %add3A_49, %gather3A_62 : vector<16xi32>
      %sub3A = arith.constant 1 : i32
      %sub3A_64 = vector.broadcast %sub3A : i32 to vector<16xi32>
      %sub3A_65 = arith.subi %add3A_63, %sub3A_64 : vector<16xi32>
      %convert_element_type3A_66 = arith.sitofp %add3A_63 : vector<16xi32> to vector<16xf32>
      %mul3A_67 = arith.constant 4.000000e-01 : f32
      %mul3A_68 = vector.broadcast %mul3A_67 : f32 to vector<16xf32>
      %mul3A_69 = arith.mulf %convert_element_type3A_66, %mul3A_68 : vector<16xf32>
      %convert_element_type3A_70 = arith.fptosi %mul3A_69 : vector<16xf32> to vector<16xi32>
      %scan3A_71 = arith.constant 0 : i32
      %scan3A_72 = arith.constant 0 : i32
      %scan3A_73 = arith.constant 128 : i32
      %scan3A_74 = arith.addi %scan3A_72, %scan3A_73 : i32
      %scan3A_75 = arith.constant 1 : i32
      scf.for %scan3A_217 = %scan3A_72 to %scan3A_74 step %scan3A_75  : i32 {
        %mul3A_218 = arith.constant 16 : i32
        %mul3A_219 = arith.muli %scan3A_217, %mul3A_218 : i32
        %get3A = arith.index_cast %mul3A_219 : i32 to index
        %get3A_220 = tpu.vector_load %arg5[%get3A] {strides = array<i32>} : memref<2048xf32, #tpu.memory_space<vmem>>, vector<16xf32>,
        %get3A_221 = vector.shape_cast %get3A_220 : vector<16xf32> to vector<16xf32>
        %bitcast_convert_type3A = tpu.bitcast %get3A_221 : vector<16xf32> -> vector<16xi32>
        %shift_right_arithmetic3A = arith.constant 31 : i32
        %shift_right_arithmetic3A_222 = vector.broadcast %shift_right_arithmetic3A : i32 to vector<16xi32>
        %shift_right_arithmetic3A_223 = arith.shrsi %bitcast_convert_type3A, %shift_right_arithmetic3A_222 : vector<16xi32>
        %and3A = arith.constant 2147483647 : i32
        %and3A_224 = vector.broadcast %and3A : i32 to vector<16xi32>
        %and3A_225 = arith.andi %shift_right_arithmetic3A_223, %and3A_224 : vector<16xi32>
        %xor3A_226 = arith.xori %bitcast_convert_type3A, %and3A_225 : vector<16xi32>
        %mul3A_227 = arith.constant 16 : i32
        %mul3A_228 = arith.muli %scan3A_217, %mul3A_227 : i32
        %iota3A_229 = tpu.iota {dimensions = array<i32: 0>} : vector<16xi32>
        %add3A_230 = vector.broadcast %mul3A_228 : i32 to vector<16xi32>
        %add3A_231 = arith.addi %add3A_230, %iota3A_229 : vector<16xi32>
        %eq3A_232 = arith.constant 0 : i32
        %eq3A_233 = vector.broadcast %eq3A_232 : i32 to vector<16xi32>
        %eq3A_234 = arith.cmpi eq, %add3A_231, %eq3A_233 : vector<16xi32>
        %eq3A_235 = arith.cmpi eq, %add3A_231, %sub3A_65 : vector<16xi32>
        %or3A_236 = arith.ori %eq3A_234, %eq3A_235 : vector<16xi1>
        %broadcast_in_dim3A_237 = arith.constant -2147483648 : i32
        %broadcast_in_dim3A_238 = vector.broadcast %broadcast_in_dim3A_237 : i32 to vector<16xi32>
        %select_n3A_239 = arith.select %or3A_236, %broadcast_in_dim3A_238, %xor3A_226 : vector<16xi1>, vector<16xi32>
        %mul3A_240 = arith.constant 16 : i32
        %mul3A_241 = arith.muli %scan3A_217, %mul3A_240 : i32
        %swap3A = arith.index_cast %mul3A_241 : i32 to index
        %swap3A_242 = tpu.vector_load %arg7[%swap3A] {strides = array<i32>} : memref<2048xi32, #tpu.memory_space<vmem>>, vector<16xi32>,
        %swap3A_243 = vector.shape_cast %swap3A_242 : vector<16xi32> to vector<16xi32>
        %swap3A_244 = vector.shape_cast %select_n3A_239 : vector<16xi32> to vector<16xi32>
        tpu.vector_store %arg7[%swap3A], %swap3A_244 {strides = array<i32>} : memref<2048xi32, #tpu.memory_space<vmem>>, vector<16xi32>,
      }
      %scan3A_76 = arith.constant 128 : i32
      %scan3A_77 = arith.constant 0 : i32
      %scan3A_78 = arith.constant 32 : i32
      %scan3A_79 = arith.addi %scan3A_77, %scan3A_78 : i32
      %scan3A_80 = arith.constant 1 : i32
      %scan3A_81 = scf.for %scan3A_217 = %scan3A_77 to %scan3A_79 step %scan3A_80 iter_args(%scan3A_218 = %broadcast_in_dim3A_5) -> (vector<16xi32>)  : i32 {
        %sub3A_219 = arith.constant 31 : i32
        %sub3A_220 = arith.subi %sub3A_219, %scan3A_217 : i32
        %shift_left3A = arith.constant 1 : i32
        %shift_left3A_221 = arith.shli %shift_left3A, %sub3A_220 : i32
        %or3A_222 = vector.broadcast %shift_left3A_221 : i32 to vector<16xi32>
        %or3A_223 = arith.ori %scan3A_218, %or3A_222 : vector<16xi32>
        %xor3A_224 = arith.constant -2147483648 : i32
        %xor3A_225 = vector.broadcast %xor3A_224 : i32 to vector<16xi32>
        %xor3A_226 = arith.xori %or3A_223, %xor3A_225 : vector<16xi32>
        %scan3A_227 = arith.constant 0 : i32
        %scan3A_228 = arith.constant 128 : i32
        %scan3A_229 = arith.addi %scan3A_227, %scan3A_228 : i32
        %scan3A_230 = arith.constant 1 : i32
        %scan3A_231 = scf.for %scan3A_291 = %scan3A_227 to %scan3A_229 step %scan3A_230 iter_args(%scan3A_292 = %broadcast_in_dim3A_5) -> (vector<16xi32>)  : i32 {
          %mul3A_293 = arith.constant 16 : i32
          %mul3A_294 = arith.muli %scan3A_291, %mul3A_293 : i32
          %get3A = arith.index_cast %mul3A_294 : i32 to index
          %get3A_295 = tpu.vector_load %arg7[%get3A] {strides = array<i32>} : memref<2048xi32, #tpu.memory_space<vmem>>, vector<16xi32>,
          %get3A_296 = vector.shape_cast %get3A_295 : vector<16xi32> to vector<16xi32>
          %ge3A_297 = arith.cmpi sge, %get3A_296, %xor3A_226 : vector<16xi32>
          %select_n3A_298 = arith.select %ge3A_297, %broadcast_in_dim3A_3, %broadcast_in_dim3A_5 : vector<16xi1>, vector<16xi32>
          %add3A_299 = arith.addi %scan3A_292, %select_n3A_298 : vector<16xi32>
          scf.yield %add3A_299 : vector<16xi32>
        }
        %scan3A_232 = arith.constant 128 : i32
        %iota3A_233 = tpu.iota {dimensions = array<i32: 0>} : vector<16xi32>
        %xor3A_234 = arith.constant 8 : i32
        %xor3A_235 = vector.broadcast %xor3A_234 : i32 to vector<16xi32>
        %xor3A_236 = arith.xori %iota3A_233, %xor3A_235 : vector<16xi32>
        %lt3A_237 = arith.constant 0 : i32
        %lt3A_238 = vector.broadcast %lt3A_237 : i32 to vector<16xi32>
        %lt3A_239 = arith.cmpi slt, %xor3A_236, %lt3A_238 : vector<16xi32>
        %add3A_240 = arith.constant 16 : i32
        %add3A_241 = vector.broadcast %add3A_240 : i32 to vector<16xi32>
        %add3A_242 = arith.addi %xor3A_236, %add3A_241 : vector<16xi32>
        %select_n3A_243 = arith.select %lt3A_239, %add3A_242, %xor3A_236 : vector<16xi1>, vector<16xi32>
        %broadcast_in_dim3A_244 = vector.shape_cast %select_n3A_243 : vector<16xi32> to vector<16x1xi32>
        %gather3A_245 = vector.shape_cast %broadcast_in_dim3A_244 : vector<16x1xi32> to vector<16xi32>
        %gather3A_246 = tpu.dynamic_gather %scan3A_231[%gather3A_245] in [0] : vector<16xi32>, vector<16xi32> -> vector<16xi32>
        %add3A_247 = arith.addi %scan3A_231, %gather3A_246 : vector<16xi32>
        %xor3A_248 = arith.constant 4 : i32
        %xor3A_249 = vector.broadcast %xor3A_248 : i32 to vector<16xi32>
        %xor3A_250 = arith.xori %iota3A_233, %xor3A_249 : vector<16xi32>
        %lt3A_251 = arith.constant 0 : i32
        %lt3A_252 = vector.broadcast %lt3A_251 : i32 to vector<16xi32>
        %lt3A_253 = arith.cmpi slt, %xor3A_250, %lt3A_252 : vector<16xi32>
        %add3A_254 = arith.constant 16 : i32
        %add3A_255 = vector.broadcast %add3A_254 : i32 to vector<16xi32>
        %add3A_256 = arith.addi %xor3A_250, %add3A_255 : vector<16xi32>
        %select_n3A_257 = arith.select %lt3A_253, %add3A_256, %xor3A_250 : vector<16xi1>, vector<16xi32>
        %broadcast_in_dim3A_258 = vector.shape_cast %select_n3A_257 : vector<16xi32> to vector<16x1xi32>
        %gather3A_259 = vector.shape_cast %broadcast_in_dim3A_258 : vector<16x1xi32> to vector<16xi32>
        %gather3A_260 = tpu.dynamic_gather %add3A_247[%gather3A_259] in [0] : vector<16xi32>, vector<16xi32> -> vector<16xi32>
        %add3A_261 = arith.addi %add3A_247, %gather3A_260 : vector<16xi32>
        %xor3A_262 = arith.constant 2 : i32
        %xor3A_263 = vector.broadcast %xor3A_262 : i32 to vector<16xi32>
        %xor3A_264 = arith.xori %iota3A_233, %xor3A_263 : vector<16xi32>
        %lt3A_265 = arith.constant 0 : i32
        %lt3A_266 = vector.broadcast %lt3A_265 : i32 to vector<16xi32>
        %lt3A_267 = arith.cmpi slt, %xor3A_264, %lt3A_266 : vector<16xi32>
        %add3A_268 = arith.constant 16 : i32
        %add3A_269 = vector.broadcast %add3A_268 : i32 to vector<16xi32>
        %add3A_270 = arith.addi %xor3A_264, %add3A_269 : vector<16xi32>
        %select_n3A_271 = arith.select %lt3A_267, %add3A_270, %xor3A_264 : vector<16xi1>, vector<16xi32>
        %broadcast_in_dim3A_272 = vector.shape_cast %select_n3A_271 : vector<16xi32> to vector<16x1xi32>
        %gather3A_273 = vector.shape_cast %broadcast_in_dim3A_272 : vector<16x1xi32> to vector<16xi32>
        %gather3A_274 = tpu.dynamic_gather %add3A_261[%gather3A_273] in [0] : vector<16xi32>, vector<16xi32> -> vector<16xi32>
        %add3A_275 = arith.addi %add3A_261, %gather3A_274 : vector<16xi32>
        %xor3A_276 = arith.constant 1 : i32
        %xor3A_277 = vector.broadcast %xor3A_276 : i32 to vector<16xi32>
        %xor3A_278 = arith.xori %iota3A_233, %xor3A_277 : vector<16xi32>
        %lt3A_279 = arith.constant 0 : i32
        %lt3A_280 = vector.broadcast %lt3A_279 : i32 to vector<16xi32>
        %lt3A_281 = arith.cmpi slt, %xor3A_278, %lt3A_280 : vector<16xi32>
        %add3A_282 = arith.constant 16 : i32
        %add3A_283 = vector.broadcast %add3A_282 : i32 to vector<16xi32>
        %add3A_284 = arith.addi %xor3A_278, %add3A_283 : vector<16xi32>
        %select_n3A_285 = arith.select %lt3A_281, %add3A_284, %xor3A_278 : vector<16xi1>, vector<16xi32>
        %broadcast_in_dim3A_286 = vector.shape_cast %select_n3A_285 : vector<16xi32> to vector<16x1xi32>
        %gather3A_287 = vector.shape_cast %broadcast_in_dim3A_286 : vector<16x1xi32> to vector<16xi32>
        %gather3A_288 = tpu.dynamic_gather %add3A_275[%gather3A_287] in [0] : vector<16xi32>, vector<16xi32> -> vector<16xi32>
        %add3A_289 = arith.addi %add3A_275, %gather3A_288 : vector<16xi32>
        %ge3A = arith.cmpi sge, %add3A_289, %convert_element_type3A_70 : vector<16xi32>
        %select_n3A_290 = arith.select %ge3A, %or3A_223, %scan3A_218 : vector<16xi1>, vector<16xi32>
        scf.yield %select_n3A_290 : vector<16xi32>
      }
      %scan3A_82 = arith.constant 32 : i32
      %xor3A_83 = arith.constant -2147483648 : i32
      %xor3A_84 = vector.broadcast %xor3A_83 : i32 to vector<16xi32>
      %xor3A_85 = arith.xori %scan3A_81, %xor3A_84 : vector<16xi32>
      %scan3A_86 = arith.constant 0 : i32
      %scan3A_87 = arith.constant 128 : i32
      %scan3A_88 = arith.addi %scan3A_86, %scan3A_87 : i32
      %scan3A_89 = arith.constant 1 : i32
      %scan3A_90:2 = scf.for %scan3A_217 = %scan3A_86 to %scan3A_88 step %scan3A_89 iter_args(%scan3A_218 = %broadcast_in_dim3A_5, %scan3A_219 = %broadcast_in_dim3A_5) -> (vector<16xi32>, vector<16xi32>)  : i32 {
        %mul3A_220 = arith.constant 16 : i32
        %mul3A_221 = arith.muli %scan3A_217, %mul3A_220 : i32
        %get3A = arith.index_cast %mul3A_221 : i32 to index
        %get3A_222 = tpu.vector_load %arg7[%get3A] {strides = array<i32>} : memref<2048xi32, #tpu.memory_space<vmem>>, vector<16xi32>,
        %get3A_223 = vector.shape_cast %get3A_222 : vector<16xi32> to vector<16xi32>
        %gt3A = arith.cmpi sgt, %get3A_223, %xor3A_85 : vector<16xi32>
        %select_n3A_224 = arith.select %gt3A, %broadcast_in_dim3A_3, %broadcast_in_dim3A_5 : vector<16xi1>, vector<16xi32>
        %add3A_225 = arith.addi %scan3A_218, %select_n3A_224 : vector<16xi32>
        %gt3A_226 = arith.constant -2147483648 : i32
        %gt3A_227 = vector.broadcast %gt3A_226 : i32 to vector<16xi32>
        %gt3A_228 = arith.cmpi sgt, %get3A_223, %gt3A_227 : vector<16xi32>
        %select_n3A_229 = arith.select %gt3A_228, %broadcast_in_dim3A_3, %broadcast_in_dim3A_5 : vector<16xi1>, vector<16xi32>
        %add3A_230 = arith.addi %scan3A_219, %select_n3A_229 : vector<16xi32>
        scf.yield %add3A_225, %add3A_230 : vector<16xi32>, vector<16xi32>
      }
      %scan3A_91 = arith.constant 128 : i32
      %iota3A_92 = tpu.iota {dimensions = array<i32: 0>} : vector<16xi32>
      %xor3A_93 = arith.constant 8 : i32
      %xor3A_94 = vector.broadcast %xor3A_93 : i32 to vector<16xi32>
      %xor3A_95 = arith.xori %iota3A_92, %xor3A_94 : vector<16xi32>
      %lt3A_96 = arith.constant 0 : i32
      %lt3A_97 = vector.broadcast %lt3A_96 : i32 to vector<16xi32>
      %lt3A_98 = arith.cmpi slt, %xor3A_95, %lt3A_97 : vector<16xi32>
      %add3A_99 = arith.constant 16 : i32
      %add3A_100 = vector.broadcast %add3A_99 : i32 to vector<16xi32>
      %add3A_101 = arith.addi %xor3A_95, %add3A_100 : vector<16xi32>
      %select_n3A_102 = arith.select %lt3A_98, %add3A_101, %xor3A_95 : vector<16xi1>, vector<16xi32>
      %broadcast_in_dim3A_103 = vector.shape_cast %select_n3A_102 : vector<16xi32> to vector<16x1xi32>
      %gather3A_104 = vector.shape_cast %broadcast_in_dim3A_103 : vector<16x1xi32> to vector<16xi32>
      %gather3A_105 = tpu.dynamic_gather %scan3A_90#0[%gather3A_104] in [0] : vector<16xi32>, vector<16xi32> -> vector<16xi32>
      %add3A_106 = arith.addi %scan3A_90#0, %gather3A_105 : vector<16xi32>
      %xor3A_107 = arith.constant 4 : i32
      %xor3A_108 = vector.broadcast %xor3A_107 : i32 to vector<16xi32>
      %xor3A_109 = arith.xori %iota3A_92, %xor3A_108 : vector<16xi32>
      %lt3A_110 = arith.constant 0 : i32
      %lt3A_111 = vector.broadcast %lt3A_110 : i32 to vector<16xi32>
      %lt3A_112 = arith.cmpi slt, %xor3A_109, %lt3A_111 : vector<16xi32>
      %add3A_113 = arith.constant 16 : i32
      %add3A_114 = vector.broadcast %add3A_113 : i32 to vector<16xi32>
      %add3A_115 = arith.addi %xor3A_109, %add3A_114 : vector<16xi32>
      %select_n3A_116 = arith.select %lt3A_112, %add3A_115, %xor3A_109 : vector<16xi1>, vector<16xi32>
      %broadcast_in_dim3A_117 = vector.shape_cast %select_n3A_116 : vector<16xi32> to vector<16x1xi32>
      %gather3A_118 = vector.shape_cast %broadcast_in_dim3A_117 : vector<16x1xi32> to vector<16xi32>
      %gather3A_119 = tpu.dynamic_gather %add3A_106[%gather3A_118] in [0] : vector<16xi32>, vector<16xi32> -> vector<16xi32>
      %add3A_120 = arith.addi %add3A_106, %gather3A_119 : vector<16xi32>
      %xor3A_121 = arith.constant 2 : i32
      %xor3A_122 = vector.broadcast %xor3A_121 : i32 to vector<16xi32>
      %xor3A_123 = arith.xori %iota3A_92, %xor3A_122 : vector<16xi32>
      %lt3A_124 = arith.constant 0 : i32
      %lt3A_125 = vector.broadcast %lt3A_124 : i32 to vector<16xi32>
      %lt3A_126 = arith.cmpi slt, %xor3A_123, %lt3A_125 : vector<16xi32>
      %add3A_127 = arith.constant 16 : i32
      %add3A_128 = vector.broadcast %add3A_127 : i32 to vector<16xi32>
      %add3A_129 = arith.addi %xor3A_123, %add3A_128 : vector<16xi32>
      %select_n3A_130 = arith.select %lt3A_126, %add3A_129, %xor3A_123 : vector<16xi1>, vector<16xi32>
      %broadcast_in_dim3A_131 = vector.shape_cast %select_n3A_130 : vector<16xi32> to vector<16x1xi32>
      %gather3A_132 = vector.shape_cast %broadcast_in_dim3A_131 : vector<16x1xi32> to vector<16xi32>
      %gather3A_133 = tpu.dynamic_gather %add3A_120[%gather3A_132] in [0] : vector<16xi32>, vector<16xi32> -> vector<16xi32>
      %add3A_134 = arith.addi %add3A_120, %gather3A_133 : vector<16xi32>
      %xor3A_135 = arith.constant 1 : i32
      %xor3A_136 = vector.broadcast %xor3A_135 : i32 to vector<16xi32>
      %xor3A_137 = arith.xori %iota3A_92, %xor3A_136 : vector<16xi32>
      %lt3A_138 = arith.constant 0 : i32
      %lt3A_139 = vector.broadcast %lt3A_138 : i32 to vector<16xi32>
      %lt3A_140 = arith.cmpi slt, %xor3A_137, %lt3A_139 : vector<16xi32>
      %add3A_141 = arith.constant 16 : i32
      %add3A_142 = vector.broadcast %add3A_141 : i32 to vector<16xi32>
      %add3A_143 = arith.addi %xor3A_137, %add3A_142 : vector<16xi32>
      %select_n3A_144 = arith.select %lt3A_140, %add3A_143, %xor3A_137 : vector<16xi1>, vector<16xi32>
      %broadcast_in_dim3A_145 = vector.shape_cast %select_n3A_144 : vector<16xi32> to vector<16x1xi32>
      %gather3A_146 = vector.shape_cast %broadcast_in_dim3A_145 : vector<16x1xi32> to vector<16xi32>
      %gather3A_147 = tpu.dynamic_gather %add3A_134[%gather3A_146] in [0] : vector<16xi32>, vector<16xi32> -> vector<16xi32>
      %add3A_148 = arith.addi %add3A_134, %gather3A_147 : vector<16xi32>
      %iota3A_149 = tpu.iota {dimensions = array<i32: 0>} : vector<16xi32>
      %xor3A_150 = arith.constant 8 : i32
      %xor3A_151 = vector.broadcast %xor3A_150 : i32 to vector<16xi32>
      %xor3A_152 = arith.xori %iota3A_149, %xor3A_151 : vector<16xi32>
      %lt3A_153 = arith.constant 0 : i32
      %lt3A_154 = vector.broadcast %lt3A_153 : i32 to vector<16xi32>
      %lt3A_155 = arith.cmpi slt, %xor3A_152, %lt3A_154 : vector<16xi32>
      %add3A_156 = arith.constant 16 : i32
      %add3A_157 = vector.broadcast %add3A_156 : i32 to vector<16xi32>
      %add3A_158 = arith.addi %xor3A_152, %add3A_157 : vector<16xi32>
      %select_n3A_159 = arith.select %lt3A_155, %add3A_158, %xor3A_152 : vector<16xi1>, vector<16xi32>
      %broadcast_in_dim3A_160 = vector.shape_cast %select_n3A_159 : vector<16xi32> to vector<16x1xi32>
      %gather3A_161 = vector.shape_cast %broadcast_in_dim3A_160 : vector<16x1xi32> to vector<16xi32>
      %gather3A_162 = tpu.dynamic_gather %scan3A_90#1[%gather3A_161] in [0] : vector<16xi32>, vector<16xi32> -> vector<16xi32>
      %add3A_163 = arith.addi %scan3A_90#1, %gather3A_162 : vector<16xi32>
      %xor3A_164 = arith.constant 4 : i32
      %xor3A_165 = vector.broadcast %xor3A_164 : i32 to vector<16xi32>
      %xor3A_166 = arith.xori %iota3A_149, %xor3A_165 : vector<16xi32>
      %lt3A_167 = arith.constant 0 : i32
      %lt3A_168 = vector.broadcast %lt3A_167 : i32 to vector<16xi32>
      %lt3A_169 = arith.cmpi slt, %xor3A_166, %lt3A_168 : vector<16xi32>
      %add3A_170 = arith.constant 16 : i32
      %add3A_171 = vector.broadcast %add3A_170 : i32 to vector<16xi32>
      %add3A_172 = arith.addi %xor3A_166, %add3A_171 : vector<16xi32>
      %select_n3A_173 = arith.select %lt3A_169, %add3A_172, %xor3A_166 : vector<16xi1>, vector<16xi32>
      %broadcast_in_dim3A_174 = vector.shape_cast %select_n3A_173 : vector<16xi32> to vector<16x1xi32>
      %gather3A_175 = vector.shape_cast %broadcast_in_dim3A_174 : vector<16x1xi32> to vector<16xi32>
      %gather3A_176 = tpu.dynamic_gather %add3A_163[%gather3A_175] in [0] : vector<16xi32>, vector<16xi32> -> vector<16xi32>
      %add3A_177 = arith.addi %add3A_163, %gather3A_176 : vector<16xi32>
      %xor3A_178 = arith.constant 2 : i32
      %xor3A_179 = vector.broadcast %xor3A_178 : i32 to vector<16xi32>
      %xor3A_180 = arith.xori %iota3A_149, %xor3A_179 : vector<16xi32>
      %lt3A_181 = arith.constant 0 : i32
      %lt3A_182 = vector.broadcast %lt3A_181 : i32 to vector<16xi32>
      %lt3A_183 = arith.cmpi slt, %xor3A_180, %lt3A_182 : vector<16xi32>
      %add3A_184 = arith.constant 16 : i32
      %add3A_185 = vector.broadcast %add3A_184 : i32 to vector<16xi32>
      %add3A_186 = arith.addi %xor3A_180, %add3A_185 : vector<16xi32>
      %select_n3A_187 = arith.select %lt3A_183, %add3A_186, %xor3A_180 : vector<16xi1>, vector<16xi32>
      %broadcast_in_dim3A_188 = vector.shape_cast %select_n3A_187 : vector<16xi32> to vector<16x1xi32>
      %gather3A_189 = vector.shape_cast %broadcast_in_dim3A_188 : vector<16x1xi32> to vector<16xi32>
      %gather3A_190 = tpu.dynamic_gather %add3A_177[%gather3A_189] in [0] : vector<16xi32>, vector<16xi32> -> vector<16xi32>
      %add3A_191 = arith.addi %add3A_177, %gather3A_190 : vector<16xi32>
      %xor3A_192 = arith.constant 1 : i32
      %xor3A_193 = vector.broadcast %xor3A_192 : i32 to vector<16xi32>
      %xor3A_194 = arith.xori %iota3A_149, %xor3A_193 : vector<16xi32>
      %lt3A_195 = arith.constant 0 : i32
      %lt3A_196 = vector.broadcast %lt3A_195 : i32 to vector<16xi32>
      %lt3A_197 = arith.cmpi slt, %xor3A_194, %lt3A_196 : vector<16xi32>
      %add3A_198 = arith.constant 16 : i32
      %add3A_199 = vector.broadcast %add3A_198 : i32 to vector<16xi32>
      %add3A_200 = arith.addi %xor3A_194, %add3A_199 : vector<16xi32>
      %select_n3A_201 = arith.select %lt3A_197, %add3A_200, %xor3A_194 : vector<16xi1>, vector<16xi32>
      %broadcast_in_dim3A_202 = vector.shape_cast %select_n3A_201 : vector<16xi32> to vector<16x1xi32>
      %gather3A_203 = vector.shape_cast %broadcast_in_dim3A_202 : vector<16x1xi32> to vector<16xi32>
      %gather3A_204 = tpu.dynamic_gather %add3A_191[%gather3A_203] in [0] : vector<16xi32>, vector<16xi32> -> vector<16xi32>
      %add3A_205 = arith.addi %add3A_191, %gather3A_204 : vector<16xi32>
      %sub3A_206 = arith.subi %convert_element_type3A_70, %add3A_148 : vector<16xi32>
      %eq3A = arith.constant 0 : i32
      %eq3A_207 = vector.broadcast %eq3A : i32 to vector<16xi32>
      %eq3A_208 = arith.cmpi eq, %add3A_205, %eq3A_207 : vector<16xi32>
      %le3A = arith.constant 0 : i32
      %le3A_209 = vector.broadcast %le3A : i32 to vector<16xi32>
      %le3A_210 = arith.cmpi sle, %convert_element_type3A_70, %le3A_209 : vector<16xi32>
      %or3A = arith.ori %eq3A_208, %le3A_210 : vector<16xi1>
      %scan3A_211 = arith.constant 0 : i32
      %scan3A_212 = arith.constant 128 : i32
      %scan3A_213 = arith.addi %scan3A_211, %scan3A_212 : i32
      %scan3A_214 = arith.constant 1 : i32
      %scan3A_215 = scf.for %scan3A_217 = %scan3A_211 to %scan3A_213 step %scan3A_214 iter_args(%scan3A_218 = %broadcast_in_dim3A_5) -> (vector<16xi32>)  : i32 {
        %mul3A_219 = arith.constant 16 : i32
        %mul3A_220 = arith.muli %scan3A_217, %mul3A_219 : i32
        %get3A = arith.index_cast %mul3A_220 : i32 to index
        %get3A_221 = tpu.vector_load %arg7[%get3A] {strides = array<i32>} : memref<2048xi32, #tpu.memory_space<vmem>>, vector<16xi32>,
        %get3A_222 = vector.shape_cast %get3A_221 : vector<16xi32> to vector<16xi32>
        %eq3A_223 = arith.cmpi eq, %get3A_222, %xor3A_85 : vector<16xi32>
        %select_n3A_224 = arith.select %eq3A_223, %broadcast_in_dim3A_3, %broadcast_in_dim3A_5 : vector<16xi1>, vector<16xi32>
        %iota3A_225 = tpu.iota {dimensions = array<i32: 0>} : vector<16xi32>
        %broadcast_in_dim3A_226 = arith.constant 0 : i32
        %broadcast_in_dim3A_227 = vector.broadcast %broadcast_in_dim3A_226 : i32 to vector<16xi32>
        %sub3A_228 = arith.constant 1 : i32
        %sub3A_229 = vector.broadcast %sub3A_228 : i32 to vector<16xi32>
        %sub3A_230 = arith.subi %iota3A_225, %sub3A_229 : vector<16xi32>
        %max3A = arith.constant 0 : i32
        %max3A_231 = vector.broadcast %max3A : i32 to vector<16xi32>
        %max3A_232 = arith.maxsi %sub3A_230, %max3A_231 : vector<16xi32>
        %lt3A_233 = arith.constant 0 : i32
        %lt3A_234 = vector.broadcast %lt3A_233 : i32 to vector<16xi32>
        %lt3A_235 = arith.cmpi slt, %max3A_232, %lt3A_234 : vector<16xi32>
        %add3A_236 = arith.constant 16 : i32
        %add3A_237 = vector.broadcast %add3A_236 : i32 to vector<16xi32>
        %add3A_238 = arith.addi %max3A_232, %add3A_237 : vector<16xi32>
        %select_n3A_239 = arith.select %lt3A_235, %add3A_238, %max3A_232 : vector<16xi1>, vector<16xi32>
        %broadcast_in_dim3A_240 = vector.shape_cast %select_n3A_239 : vector<16xi32> to vector<16x1xi32>
        %gather3A_241 = vector.shape_cast %broadcast_in_dim3A_240 : vector<16x1xi32> to vector<16xi32>
        %gather3A_242 = tpu.dynamic_gather %select_n3A_224[%gather3A_241] in [0] : vector<16xi32>, vector<16xi32> -> vector<16xi32>
        %ge3A = arith.constant 1 : i32
        %ge3A_243 = vector.broadcast %ge3A : i32 to vector<16xi32>
        %ge3A_244 = arith.cmpi sge, %iota3A_225, %ge3A_243 : vector<16xi32>
        %select_n3A_245 = arith.select %ge3A_244, %gather3A_242, %broadcast_in_dim3A_227 : vector<16xi1>, vector<16xi32>
        %add3A_246 = arith.addi %select_n3A_224, %select_n3A_245 : vector<16xi32>
        %sub3A_247 = arith.constant 2 : i32
        %sub3A_248 = vector.broadcast %sub3A_247 : i32 to vector<16xi32>
        %sub3A_249 = arith.subi %iota3A_225, %sub3A_248 : vector<16xi32>
        %max3A_250 = arith.constant 0 : i32
        %max3A_251 = vector.broadcast %max3A_250 : i32 to vector<16xi32>
        %max3A_252 = arith.maxsi %sub3A_249, %max3A_251 : vector<16xi32>
        %lt3A_253 = arith.constant 0 : i32
        %lt3A_254 = vector.broadcast %lt3A_253 : i32 to vector<16xi32>
        %lt3A_255 = arith.cmpi slt, %max3A_252, %lt3A_254 : vector<16xi32>
        %add3A_256 = arith.constant 16 : i32
        %add3A_257 = vector.broadcast %add3A_256 : i32 to vector<16xi32>
        %add3A_258 = arith.addi %max3A_252, %add3A_257 : vector<16xi32>
        %select_n3A_259 = arith.select %lt3A_255, %add3A_258, %max3A_252 : vector<16xi1>, vector<16xi32>
        %broadcast_in_dim3A_260 = vector.shape_cast %select_n3A_259 : vector<16xi32> to vector<16x1xi32>
        %gather3A_261 = vector.shape_cast %broadcast_in_dim3A_260 : vector<16x1xi32> to vector<16xi32>
        %gather3A_262 = tpu.dynamic_gather %add3A_246[%gather3A_261] in [0] : vector<16xi32>, vector<16xi32> -> vector<16xi32>
        %ge3A_263 = arith.constant 2 : i32
        %ge3A_264 = vector.broadcast %ge3A_263 : i32 to vector<16xi32>
        %ge3A_265 = arith.cmpi sge, %iota3A_225, %ge3A_264 : vector<16xi32>
        %select_n3A_266 = arith.select %ge3A_265, %gather3A_262, %broadcast_in_dim3A_227 : vector<16xi1>, vector<16xi32>
        %add3A_267 = arith.addi %add3A_246, %select_n3A_266 : vector<16xi32>
        %sub3A_268 = arith.constant 4 : i32
        %sub3A_269 = vector.broadcast %sub3A_268 : i32 to vector<16xi32>
        %sub3A_270 = arith.subi %iota3A_225, %sub3A_269 : vector<16xi32>
        %max3A_271 = arith.constant 0 : i32
        %max3A_272 = vector.broadcast %max3A_271 : i32 to vector<16xi32>
        %max3A_273 = arith.maxsi %sub3A_270, %max3A_272 : vector<16xi32>
        %lt3A_274 = arith.constant 0 : i32
        %lt3A_275 = vector.broadcast %lt3A_274 : i32 to vector<16xi32>
        %lt3A_276 = arith.cmpi slt, %max3A_273, %lt3A_275 : vector<16xi32>
        %add3A_277 = arith.constant 16 : i32
        %add3A_278 = vector.broadcast %add3A_277 : i32 to vector<16xi32>
        %add3A_279 = arith.addi %max3A_273, %add3A_278 : vector<16xi32>
        %select_n3A_280 = arith.select %lt3A_276, %add3A_279, %max3A_273 : vector<16xi1>, vector<16xi32>
        %broadcast_in_dim3A_281 = vector.shape_cast %select_n3A_280 : vector<16xi32> to vector<16x1xi32>
        %gather3A_282 = vector.shape_cast %broadcast_in_dim3A_281 : vector<16x1xi32> to vector<16xi32>
        %gather3A_283 = tpu.dynamic_gather %add3A_267[%gather3A_282] in [0] : vector<16xi32>, vector<16xi32> -> vector<16xi32>
        %ge3A_284 = arith.constant 4 : i32
        %ge3A_285 = vector.broadcast %ge3A_284 : i32 to vector<16xi32>
        %ge3A_286 = arith.cmpi sge, %iota3A_225, %ge3A_285 : vector<16xi32>
        %select_n3A_287 = arith.select %ge3A_286, %gather3A_283, %broadcast_in_dim3A_227 : vector<16xi1>, vector<16xi32>
        %add3A_288 = arith.addi %add3A_267, %select_n3A_287 : vector<16xi32>
        %sub3A_289 = arith.constant 8 : i32
        %sub3A_290 = vector.broadcast %sub3A_289 : i32 to vector<16xi32>
        %sub3A_291 = arith.subi %iota3A_225, %sub3A_290 : vector<16xi32>
        %max3A_292 = arith.constant 0 : i32
        %max3A_293 = vector.broadcast %max3A_292 : i32 to vector<16xi32>
        %max3A_294 = arith.maxsi %sub3A_291, %max3A_293 : vector<16xi32>
        %lt3A_295 = arith.constant 0 : i32
        %lt3A_296 = vector.broadcast %lt3A_295 : i32 to vector<16xi32>
        %lt3A_297 = arith.cmpi slt, %max3A_294, %lt3A_296 : vector<16xi32>
        %add3A_298 = arith.constant 16 : i32
        %add3A_299 = vector.broadcast %add3A_298 : i32 to vector<16xi32>
        %add3A_300 = arith.addi %max3A_294, %add3A_299 : vector<16xi32>
        %select_n3A_301 = arith.select %lt3A_297, %add3A_300, %max3A_294 : vector<16xi1>, vector<16xi32>
        %broadcast_in_dim3A_302 = vector.shape_cast %select_n3A_301 : vector<16xi32> to vector<16x1xi32>
        %gather3A_303 = vector.shape_cast %broadcast_in_dim3A_302 : vector<16x1xi32> to vector<16xi32>
        %gather3A_304 = tpu.dynamic_gather %add3A_288[%gather3A_303] in [0] : vector<16xi32>, vector<16xi32> -> vector<16xi32>
        %ge3A_305 = arith.constant 8 : i32
        %ge3A_306 = vector.broadcast %ge3A_305 : i32 to vector<16xi32>
        %ge3A_307 = arith.cmpi sge, %iota3A_225, %ge3A_306 : vector<16xi32>
        %select_n3A_308 = arith.select %ge3A_307, %gather3A_304, %broadcast_in_dim3A_227 : vector<16xi1>, vector<16xi32>
        %add3A_309 = arith.addi %add3A_288, %select_n3A_308 : vector<16xi32>
        %add3A_310 = arith.addi %scan3A_218, %add3A_309 : vector<16xi32>
        %le3A_311 = arith.cmpi sle, %add3A_310, %sub3A_206 : vector<16xi32>
        %and3A = arith.andi %eq3A_223, %le3A_311 : vector<16xi1>
        %mul3A_312 = arith.constant 16 : i32
        %mul3A_313 = arith.muli %scan3A_217, %mul3A_312 : i32
        %iota3A_314 = tpu.iota {dimensions = array<i32: 0>} : vector<16xi32>
        %add3A_315 = vector.broadcast %mul3A_313 : i32 to vector<16xi32>
        %add3A_316 = arith.addi %add3A_315, %iota3A_314 : vector<16xi32>
        %eq3A_317 = arith.constant 0 : i32
        %eq3A_318 = vector.broadcast %eq3A_317 : i32 to vector<16xi32>
        %eq3A_319 = arith.cmpi eq, %add3A_316, %eq3A_318 : vector<16xi32>
        %eq3A_320 = arith.cmpi eq, %add3A_316, %sub3A_65 : vector<16xi32>
        %or3A_321 = arith.ori %eq3A_319, %eq3A_320 : vector<16xi1>
        %gt3A = arith.cmpi sgt, %get3A_222, %xor3A_85 : vector<16xi32>
        %or3A_322 = arith.ori %gt3A, %and3A : vector<16xi1>
        %or3A_323 = arith.ori %or3A_322, %or3A_321 : vector<16xi1>
        %broadcast_in_dim3A_324 = arith.constant 1.000000e+00 : f32
        %broadcast_in_dim3A_325 = vector.broadcast %broadcast_in_dim3A_324 : f32 to vector<16xf32>
        %broadcast_in_dim3A_326 = arith.constant 0.000000e+00 : f32
        %broadcast_in_dim3A_327 = vector.broadcast %broadcast_in_dim3A_326 : f32 to vector<16xf32>
        %select_n3A_328 = arith.select %or3A_323, %broadcast_in_dim3A_325, %broadcast_in_dim3A_327 : vector<16xi1>, vector<16xf32>
        %mul3A_329 = arith.constant 16 : i32
        %mul3A_330 = arith.muli %scan3A_217, %mul3A_329 : i32
        %get3A_331 = arith.index_cast %mul3A_330 : i32 to index
        %get3A_332 = tpu.vector_load %arg6[%get3A_331] {strides = array<i32>} : memref<2048xf32, #tpu.memory_space<vmem>>, vector<16xf32>,
        %get3A_333 = vector.shape_cast %get3A_332 : vector<16xf32> to vector<16xf32>
        %select_n3A_334 = arith.select %or3A, %get3A_333, %select_n3A_328 : vector<16xi1>, vector<16xf32>
        %mul3A_335 = arith.constant 16 : i32
        %mul3A_336 = arith.muli %scan3A_217, %mul3A_335 : i32
        %swap3A = arith.index_cast %mul3A_336 : i32 to index
        %swap3A_337 = tpu.vector_load %arg8[%swap3A] {strides = array<i32>} : memref<2048xf32, #tpu.memory_space<vmem>>, vector<16xf32>,
        %swap3A_338 = vector.shape_cast %swap3A_337 : vector<16xf32> to vector<16xf32>
        %swap3A_339 = vector.shape_cast %select_n3A_334 : vector<16xf32> to vector<16xf32>
        tpu.vector_store %arg8[%swap3A], %swap3A_339 {strides = array<i32>} : memref<2048xf32, #tpu.memory_space<vmem>>, vector<16xf32>,
        %iota3A_340 = tpu.iota {dimensions = array<i32: 0>} : vector<16xi32>
        %xor3A_341 = arith.constant 8 : i32
        %xor3A_342 = vector.broadcast %xor3A_341 : i32 to vector<16xi32>
        %xor3A_343 = arith.xori %iota3A_340, %xor3A_342 : vector<16xi32>
        %lt3A_344 = arith.constant 0 : i32
        %lt3A_345 = vector.broadcast %lt3A_344 : i32 to vector<16xi32>
        %lt3A_346 = arith.cmpi slt, %xor3A_343, %lt3A_345 : vector<16xi32>
        %add3A_347 = arith.constant 16 : i32
        %add3A_348 = vector.broadcast %add3A_347 : i32 to vector<16xi32>
        %add3A_349 = arith.addi %xor3A_343, %add3A_348 : vector<16xi32>
        %select_n3A_350 = arith.select %lt3A_346, %add3A_349, %xor3A_343 : vector<16xi1>, vector<16xi32>
        %broadcast_in_dim3A_351 = vector.shape_cast %select_n3A_350 : vector<16xi32> to vector<16x1xi32>
        %gather3A_352 = vector.shape_cast %broadcast_in_dim3A_351 : vector<16x1xi32> to vector<16xi32>
        %gather3A_353 = tpu.dynamic_gather %select_n3A_224[%gather3A_352] in [0] : vector<16xi32>, vector<16xi32> -> vector<16xi32>
        %add3A_354 = arith.addi %select_n3A_224, %gather3A_353 : vector<16xi32>
        %xor3A_355 = arith.constant 4 : i32
        %xor3A_356 = vector.broadcast %xor3A_355 : i32 to vector<16xi32>
        %xor3A_357 = arith.xori %iota3A_340, %xor3A_356 : vector<16xi32>
        %lt3A_358 = arith.constant 0 : i32
        %lt3A_359 = vector.broadcast %lt3A_358 : i32 to vector<16xi32>
        %lt3A_360 = arith.cmpi slt, %xor3A_357, %lt3A_359 : vector<16xi32>
        %add3A_361 = arith.constant 16 : i32
        %add3A_362 = vector.broadcast %add3A_361 : i32 to vector<16xi32>
        %add3A_363 = arith.addi %xor3A_357, %add3A_362 : vector<16xi32>
        %select_n3A_364 = arith.select %lt3A_360, %add3A_363, %xor3A_357 : vector<16xi1>, vector<16xi32>
        %broadcast_in_dim3A_365 = vector.shape_cast %select_n3A_364 : vector<16xi32> to vector<16x1xi32>
        %gather3A_366 = vector.shape_cast %broadcast_in_dim3A_365 : vector<16x1xi32> to vector<16xi32>
        %gather3A_367 = tpu.dynamic_gather %add3A_354[%gather3A_366] in [0] : vector<16xi32>, vector<16xi32> -> vector<16xi32>
        %add3A_368 = arith.addi %add3A_354, %gather3A_367 : vector<16xi32>
        %xor3A_369 = arith.constant 2 : i32
        %xor3A_370 = vector.broadcast %xor3A_369 : i32 to vector<16xi32>
        %xor3A_371 = arith.xori %iota3A_340, %xor3A_370 : vector<16xi32>
        %lt3A_372 = arith.constant 0 : i32
        %lt3A_373 = vector.broadcast %lt3A_372 : i32 to vector<16xi32>
        %lt3A_374 = arith.cmpi slt, %xor3A_371, %lt3A_373 : vector<16xi32>
        %add3A_375 = arith.constant 16 : i32
        %add3A_376 = vector.broadcast %add3A_375 : i32 to vector<16xi32>
        %add3A_377 = arith.addi %xor3A_371, %add3A_376 : vector<16xi32>
        %select_n3A_378 = arith.select %lt3A_374, %add3A_377, %xor3A_371 : vector<16xi1>, vector<16xi32>
        %broadcast_in_dim3A_379 = vector.shape_cast %select_n3A_378 : vector<16xi32> to vector<16x1xi32>
        %gather3A_380 = vector.shape_cast %broadcast_in_dim3A_379 : vector<16x1xi32> to vector<16xi32>
        %gather3A_381 = tpu.dynamic_gather %add3A_368[%gather3A_380] in [0] : vector<16xi32>, vector<16xi32> -> vector<16xi32>
        %add3A_382 = arith.addi %add3A_368, %gather3A_381 : vector<16xi32>
        %xor3A_383 = arith.constant 1 : i32
        %xor3A_384 = vector.broadcast %xor3A_383 : i32 to vector<16xi32>
        %xor3A_385 = arith.xori %iota3A_340, %xor3A_384 : vector<16xi32>
        %lt3A_386 = arith.constant 0 : i32
        %lt3A_387 = vector.broadcast %lt3A_386 : i32 to vector<16xi32>
        %lt3A_388 = arith.cmpi slt, %xor3A_385, %lt3A_387 : vector<16xi32>
        %add3A_389 = arith.constant 16 : i32
        %add3A_390 = vector.broadcast %add3A_389 : i32 to vector<16xi32>
        %add3A_391 = arith.addi %xor3A_385, %add3A_390 : vector<16xi32>
        %select_n3A_392 = arith.select %lt3A_388, %add3A_391, %xor3A_385 : vector<16xi1>, vector<16xi32>
        %broadcast_in_dim3A_393 = vector.shape_cast %select_n3A_392 : vector<16xi32> to vector<16x1xi32>
        %gather3A_394 = vector.shape_cast %broadcast_in_dim3A_393 : vector<16x1xi32> to vector<16xi32>
        %gather3A_395 = tpu.dynamic_gather %add3A_382[%gather3A_394] in [0] : vector<16xi32>, vector<16xi32> -> vector<16xi32>
        %add3A_396 = arith.addi %add3A_382, %gather3A_395 : vector<16xi32>
        %add3A_397 = arith.addi %scan3A_218, %add3A_396 : vector<16xi32>
        scf.yield %add3A_397 : vector<16xi32>
      }
      %scan3A_216 = arith.constant 128 : i32
      "tpu.region"() ({
        %run_scoped3A = tpu.sem_alloc : memref<!tpu.dma_semaphore, #tpu.memory_space<semaphore_mem>>
        %dma_start3A = arith.constant 0 : i32
        %dma_start3A_217 = tpu.memref_slice %arg4[%add3A, %dma_start3A] : memref<1x2048xf32, #tpu.memory_space<hbm>> -> memref<1x2048xf32, #tpu.memory_space<hbm>>
        %dma_start3A_218 = tpu.memref_squeeze %dma_start3A_217 : memref<1x2048xf32, #tpu.memory_space<hbm>> -> memref<2048xf32, #tpu.memory_space<hbm>>
        %dma_start3A_219 = arith.constant 0 : i32
        %dma_start3A_220 = tpu.memref_slice %arg4[%add3A, %dma_start3A_219] : memref<1x2048xf32, #tpu.memory_space<hbm>> -> memref<1x2048xf32, #tpu.memory_space<hbm>>
        %dma_start3A_221 = tpu.memref_squeeze %dma_start3A_220 : memref<1x2048xf32, #tpu.memory_space<hbm>> -> memref<2048xf32, #tpu.memory_space<hbm>>
        tpu.enqueue_dma source(%arg8 : memref<2048xf32, #tpu.memory_space<vmem>>) target(%dma_start3A_221 : memref<2048xf32, #tpu.memory_space<hbm>>) target_semaphore(%run_scoped3A : memref<!tpu.dma_semaphore, #tpu.memory_space<semaphore_mem>>)
        %dma_wait3A = arith.constant 0 : i32
        %dma_wait3A_222 = tpu.memref_slice %arg4[%add3A, %dma_wait3A] : memref<1x2048xf32, #tpu.memory_space<hbm>> -> memref<1x2048xf32, #tpu.memory_space<hbm>>
        %dma_wait3A_223 = tpu.memref_squeeze %dma_wait3A_222 : memref<1x2048xf32, #tpu.memory_space<hbm>> -> memref<2048xf32, #tpu.memory_space<hbm>>
        %dma_wait3A_224 = arith.constant 0 : i32
        %dma_wait3A_225 = tpu.memref_slice %arg4[%add3A, %dma_wait3A_224] : memref<1x2048xf32, #tpu.memory_space<hbm>> -> memref<1x2048xf32, #tpu.memory_space<hbm>>
        %dma_wait3A_226 = tpu.memref_squeeze %dma_wait3A_225 : memref<1x2048xf32, #tpu.memory_space<hbm>> -> memref<2048xf32, #tpu.memory_space<hbm>>
        tpu.wait_dma2 semaphore(%run_scoped3A : memref<!tpu.dma_semaphore, #tpu.memory_space<semaphore_mem>>) src(%arg8 : memref<2048xf32, #tpu.memory_space<vmem>>) dst(%dma_wait3A_226 : memref<2048xf32, #tpu.memory_space<hbm>>)
        tpu.yield
      }) : () -> ()
    } else {
    }
    return
  }
}

#map = affine_map<(d0, d1) -> (0, 0)>
module attributes {stable_mosaic.version = 14 : i64} {
  func.func @_select_body(%arg0: i32, %arg1: i32, %arg2: memref<1x2048xf32, #tpu.memory_space<hbm>>, %arg3: memref<1x2048xf32, #tpu.memory_space<hbm>>, %arg4: memref<1x2048xf32, #tpu.memory_space<hbm>>, %arg5: memref<2048xf32, #tpu.memory_space<vmem>>, %arg6: memref<2048xf32, #tpu.memory_space<vmem>>, %arg7: memref<2048xi32, #tpu.memory_space<vmem>>, %arg8: memref<2048xf32, #tpu.memory_space<vmem>>) attributes {dimension_semantics = [#tpu.dimension_semantics<core_parallel>, #tpu.dimension_semantics<subcore_parallel>], iteration_bounds = array<i64: 2, 16>, scalar_prefetch = 0 : i64, scratch_operands = 4 : i64, tpu.core_type = #tpu.core_type<sc_vector_subcore>, window_params = [{transform_indices = #map}, {transform_indices = #map}, {transform_indices = #map}]} {
    %mul3A = arith.constant 2 : i32
    %mul3A_0 = arith.muli %arg1, %mul3A : i32
    %add3A = arith.addi %mul3A_0, %arg0 : i32
    %lt3A = arith.constant 1 : i32
    %lt3A_1 = arith.cmpi slt, %add3A, %lt3A : i32
    %convert_element_type3A = arith.extui %lt3A_1 : i1 to i32
    %cond3A = arith.constant 0 : i32
    %cond3A_2 = arith.cmpi ne, %convert_element_type3A, %cond3A : i32
    scf.if %cond3A_2 {
      "tpu.region"() ({
        %run_scoped3A = tpu.sem_alloc : memref<!tpu.dma_semaphore, #tpu.memory_space<semaphore_mem>>
        %dma_start3A = arith.constant 0 : i32
        %dma_start3A_217 = tpu.memref_slice %arg2[%add3A, %dma_start3A] : memref<1x2048xf32, #tpu.memory_space<hbm>> -> memref<1x2048xf32, #tpu.memory_space<hbm>>
        %dma_start3A_218 = tpu.memref_squeeze %dma_start3A_217 : memref<1x2048xf32, #tpu.memory_space<hbm>> -> memref<2048xf32, #tpu.memory_space<hbm>>
        %dma_start3A_219 = arith.constant 0 : i32
        %dma_start3A_220 = tpu.memref_slice %arg2[%add3A, %dma_start3A_219] : memref<1x2048xf32, #tpu.memory_space<hbm>> -> memref<1x2048xf32, #tpu.memory_space<hbm>>
        %dma_start3A_221 = tpu.memref_squeeze %dma_start3A_220 : memref<1x2048xf32, #tpu.memory_space<hbm>> -> memref<2048xf32, #tpu.memory_space<hbm>>
        tpu.enqueue_dma source(%dma_start3A_221 : memref<2048xf32, #tpu.memory_space<hbm>>) target(%arg5 : memref<2048xf32, #tpu.memory_space<vmem>>) target_semaphore(%run_scoped3A : memref<!tpu.dma_semaphore, #tpu.memory_space<semaphore_mem>>)
        %dma_wait3A = arith.constant 0 : i32
        %dma_wait3A_222 = tpu.memref_slice %arg2[%add3A, %dma_wait3A] : memref<1x2048xf32, #tpu.memory_space<hbm>> -> memref<1x2048xf32, #tpu.memory_space<hbm>>
        %dma_wait3A_223 = tpu.memref_squeeze %dma_wait3A_222 : memref<1x2048xf32, #tpu.memory_space<hbm>> -> memref<2048xf32, #tpu.memory_space<hbm>>
        %dma_wait3A_224 = arith.constant 0 : i32
        %dma_wait3A_225 = tpu.memref_slice %arg2[%add3A, %dma_wait3A_224] : memref<1x2048xf32, #tpu.memory_space<hbm>> -> memref<1x2048xf32, #tpu.memory_space<hbm>>
        %dma_wait3A_226 = tpu.memref_squeeze %dma_wait3A_225 : memref<1x2048xf32, #tpu.memory_space<hbm>> -> memref<2048xf32, #tpu.memory_space<hbm>>
        tpu.wait_dma2 semaphore(%run_scoped3A : memref<!tpu.dma_semaphore, #tpu.memory_space<semaphore_mem>>) src(%dma_wait3A_226 : memref<2048xf32, #tpu.memory_space<hbm>>) dst(%arg5 : memref<2048xf32, #tpu.memory_space<vmem>>)
        tpu.yield
      }) : () -> ()
      "tpu.region"() ({
        %run_scoped3A = tpu.sem_alloc : memref<!tpu.dma_semaphore, #tpu.memory_space<semaphore_mem>>
        %dma_start3A = arith.constant 0 : i32
        %dma_start3A_217 = tpu.memref_slice %arg3[%add3A, %dma_start3A] : memref<1x2048xf32, #tpu.memory_space<hbm>> -> memref<1x2048xf32, #tpu.memory_space<hbm>>
        %dma_start3A_218 = tpu.memref_squeeze %dma_start3A_217 : memref<1x2048xf32, #tpu.memory_space<hbm>> -> memref<2048xf32, #tpu.memory_space<hbm>>
        %dma_start3A_219 = arith.constant 0 : i32
        %dma_start3A_220 = tpu.memref_slice %arg3[%add3A, %dma_start3A_219] : memref<1x2048xf32, #tpu.memory_space<hbm>> -> memref<1x2048xf32, #tpu.memory_space<hbm>>
        %dma_start3A_221 = tpu.memref_squeeze %dma_start3A_220 : memref<1x2048xf32, #tpu.memory_space<hbm>> -> memref<2048xf32, #tpu.memory_space<hbm>>
        tpu.enqueue_dma source(%dma_start3A_221 : memref<2048xf32, #tpu.memory_space<hbm>>) target(%arg6 : memref<2048xf32, #tpu.memory_space<vmem>>) target_semaphore(%run_scoped3A : memref<!tpu.dma_semaphore, #tpu.memory_space<semaphore_mem>>)
        %dma_wait3A = arith.constant 0 : i32
        %dma_wait3A_222 = tpu.memref_slice %arg3[%add3A, %dma_wait3A] : memref<1x2048xf32, #tpu.memory_space<hbm>> -> memref<1x2048xf32, #tpu.memory_space<hbm>>
        %dma_wait3A_223 = tpu.memref_squeeze %dma_wait3A_222 : memref<1x2048xf32, #tpu.memory_space<hbm>> -> memref<2048xf32, #tpu.memory_space<hbm>>
        %dma_wait3A_224 = arith.constant 0 : i32
        %dma_wait3A_225 = tpu.memref_slice %arg3[%add3A, %dma_wait3A_224] : memref<1x2048xf32, #tpu.memory_space<hbm>> -> memref<1x2048xf32, #tpu.memory_space<hbm>>
        %dma_wait3A_226 = tpu.memref_squeeze %dma_wait3A_225 : memref<1x2048xf32, #tpu.memory_space<hbm>> -> memref<2048xf32, #tpu.memory_space<hbm>>
        tpu.wait_dma2 semaphore(%run_scoped3A : memref<!tpu.dma_semaphore, #tpu.memory_space<semaphore_mem>>) src(%dma_wait3A_226 : memref<2048xf32, #tpu.memory_space<hbm>>) dst(%arg6 : memref<2048xf32, #tpu.memory_space<vmem>>)
        tpu.yield
      }) : () -> ()
      %broadcast_in_dim3A = arith.constant 1 : i32
      %broadcast_in_dim3A_3 = vector.broadcast %broadcast_in_dim3A : i32 to vector<16xi32>
      %broadcast_in_dim3A_4 = arith.constant 0 : i32
      %broadcast_in_dim3A_5 = vector.broadcast %broadcast_in_dim3A_4 : i32 to vector<16xi32>
      %scan3A = arith.constant 0 : i32
      %scan3A_6 = arith.constant 128 : i32
      %scan3A_7 = arith.addi %scan3A, %scan3A_6 : i32
      %scan3A_8 = arith.constant 1 : i32
      %scan3A_9 = scf.for %scan3A_217 = %scan3A to %scan3A_7 step %scan3A_8 iter_args(%scan3A_218 = %broadcast_in_dim3A_5) -> (vector<16xi32>)  : i32 {
        %mul3A_219 = arith.constant 16 : i32
        %mul3A_220 = arith.muli %scan3A_217, %mul3A_219 : i32
        %get3A = arith.index_cast %mul3A_220 : i32 to index
        %get3A_221 = tpu.vector_load %arg6[%get3A] {strides = array<i32>} : memref<2048xf32, #tpu.memory_space<vmem>>, vector<16xf32>,
        %get3A_222 = vector.shape_cast %get3A_221 : vector<16xf32> to vector<16xf32>
        %ne3A = arith.constant 0.000000e+00 : f32
        %ne3A_223 = vector.broadcast %ne3A : f32 to vector<16xf32>
        %ne3A_224 = arith.cmpf one, %get3A_222, %ne3A_223 : vector<16xf32>
        %select_n3A_225 = arith.select %ne3A_224, %broadcast_in_dim3A_3, %broadcast_in_dim3A_5 : vector<16xi1>, vector<16xi32>
        %add3A_226 = arith.addi %scan3A_218, %select_n3A_225 : vector<16xi32>
        scf.yield %add3A_226 : vector<16xi32>
      }
      %scan3A_10 = arith.constant 128 : i32
      %iota3A = tpu.iota {dimensions = array<i32: 0>} : vector<16xi32>
      %xor3A = arith.constant 8 : i32
      %xor3A_11 = vector.broadcast %xor3A : i32 to vector<16xi32>
      %xor3A_12 = arith.xori %iota3A, %xor3A_11 : vector<16xi32>
      %lt3A_13 = arith.constant 0 : i32
      %lt3A_14 = vector.broadcast %lt3A_13 : i32 to vector<16xi32>
      %lt3A_15 = arith.cmpi slt, %xor3A_12, %lt3A_14 : vector<16xi32>
      %add3A_16 = arith.constant 16 : i32
      %add3A_17 = vector.broadcast %add3A_16 : i32 to vector<16xi32>
      %add3A_18 = arith.addi %xor3A_12, %add3A_17 : vector<16xi32>
      %select_n3A = arith.select %lt3A_15, %add3A_18, %xor3A_12 : vector<16xi1>, vector<16xi32>
      %broadcast_in_dim3A_19 = vector.shape_cast %select_n3A : vector<16xi32> to vector<16x1xi32>
      %gather3A = vector.shape_cast %broadcast_in_dim3A_19 : vector<16x1xi32> to vector<16xi32>
      %gather3A_20 = tpu.dynamic_gather %scan3A_9[%gather3A] in [0] : vector<16xi32>, vector<16xi32> -> vector<16xi32>
      %add3A_21 = arith.addi %scan3A_9, %gather3A_20 : vector<16xi32>
      %xor3A_22 = arith.constant 4 : i32
      %xor3A_23 = vector.broadcast %xor3A_22 : i32 to vector<16xi32>
      %xor3A_24 = arith.xori %iota3A, %xor3A_23 : vector<16xi32>
      %lt3A_25 = arith.constant 0 : i32
      %lt3A_26 = vector.broadcast %lt3A_25 : i32 to vector<16xi32>
      %lt3A_27 = arith.cmpi slt, %xor3A_24, %lt3A_26 : vector<16xi32>
      %add3A_28 = arith.constant 16 : i32
      %add3A_29 = vector.broadcast %add3A_28 : i32 to vector<16xi32>
      %add3A_30 = arith.addi %xor3A_24, %add3A_29 : vector<16xi32>
      %select_n3A_31 = arith.select %lt3A_27, %add3A_30, %xor3A_24 : vector<16xi1>, vector<16xi32>
      %broadcast_in_dim3A_32 = vector.shape_cast %select_n3A_31 : vector<16xi32> to vector<16x1xi32>
      %gather3A_33 = vector.shape_cast %broadcast_in_dim3A_32 : vector<16x1xi32> to vector<16xi32>
      %gather3A_34 = tpu.dynamic_gather %add3A_21[%gather3A_33] in [0] : vector<16xi32>, vector<16xi32> -> vector<16xi32>
      %add3A_35 = arith.addi %add3A_21, %gather3A_34 : vector<16xi32>
      %xor3A_36 = arith.constant 2 : i32
      %xor3A_37 = vector.broadcast %xor3A_36 : i32 to vector<16xi32>
      %xor3A_38 = arith.xori %iota3A, %xor3A_37 : vector<16xi32>
      %lt3A_39 = arith.constant 0 : i32
      %lt3A_40 = vector.broadcast %lt3A_39 : i32 to vector<16xi32>
      %lt3A_41 = arith.cmpi slt, %xor3A_38, %lt3A_40 : vector<16xi32>
      %add3A_42 = arith.constant 16 : i32
      %add3A_43 = vector.broadcast %add3A_42 : i32 to vector<16xi32>
      %add3A_44 = arith.addi %xor3A_38, %add3A_43 : vector<16xi32>
      %select_n3A_45 = arith.select %lt3A_41, %add3A_44, %xor3A_38 : vector<16xi1>, vector<16xi32>
      %broadcast_in_dim3A_46 = vector.shape_cast %select_n3A_45 : vector<16xi32> to vector<16x1xi32>
      %gather3A_47 = vector.shape_cast %broadcast_in_dim3A_46 : vector<16x1xi32> to vector<16xi32>
      %gather3A_48 = tpu.dynamic_gather %add3A_35[%gather3A_47] in [0] : vector<16xi32>, vector<16xi32> -> vector<16xi32>
      %add3A_49 = arith.addi %add3A_35, %gather3A_48 : vector<16xi32>
      %xor3A_50 = arith.constant 1 : i32
      %xor3A_51 = vector.broadcast %xor3A_50 : i32 to vector<16xi32>
      %xor3A_52 = arith.xori %iota3A, %xor3A_51 : vector<16xi32>
      %lt3A_53 = arith.constant 0 : i32
      %lt3A_54 = vector.broadcast %lt3A_53 : i32 to vector<16xi32>
      %lt3A_55 = arith.cmpi slt, %xor3A_52, %lt3A_54 : vector<16xi32>
      %add3A_56 = arith.constant 16 : i32
      %add3A_57 = vector.broadcast %add3A_56 : i32 to vector<16xi32>
      %add3A_58 = arith.addi %xor3A_52, %add3A_57 : vector<16xi32>
      %select_n3A_59 = arith.select %lt3A_55, %add3A_58, %xor3A_52 : vector<16xi1>, vector<16xi32>
      %broadcast_in_dim3A_60 = vector.shape_cast %select_n3A_59 : vector<16xi32> to vector<16x1xi32>
      %gather3A_61 = vector.shape_cast %broadcast_in_dim3A_60 : vector<16x1xi32> to vector<16xi32>
      %gather3A_62 = tpu.dynamic_gather %add3A_49[%gather3A_61] in [0] : vector<16xi32>, vector<16xi32> -> vector<16xi32>
      %add3A_63 = arith.addi %add3A_49, %gather3A_62 : vector<16xi32>
      %sub3A = arith.constant 1 : i32
      %sub3A_64 = vector.broadcast %sub3A : i32 to vector<16xi32>
      %sub3A_65 = arith.subi %add3A_63, %sub3A_64 : vector<16xi32>
      %convert_element_type3A_66 = arith.sitofp %add3A_63 : vector<16xi32> to vector<16xf32>
      %mul3A_67 = arith.constant 4.000000e-01 : f32
      %mul3A_68 = vector.broadcast %mul3A_67 : f32 to vector<16xf32>
      %mul3A_69 = arith.mulf %convert_element_type3A_66, %mul3A_68 : vector<16xf32>
      %convert_element_type3A_70 = arith.fptosi %mul3A_69 : vector<16xf32> to vector<16xi32>
      %scan3A_71 = arith.constant 0 : i32
      %scan3A_72 = arith.constant 0 : i32
      %scan3A_73 = arith.constant 128 : i32
      %scan3A_74 = arith.addi %scan3A_72, %scan3A_73 : i32
      %scan3A_75 = arith.constant 1 : i32
      scf.for %scan3A_217 = %scan3A_72 to %scan3A_74 step %scan3A_75  : i32 {
        %mul3A_218 = arith.constant 16 : i32
        %mul3A_219 = arith.muli %scan3A_217, %mul3A_218 : i32
        %get3A = arith.index_cast %mul3A_219 : i32 to index
        %get3A_220 = tpu.vector_load %arg5[%get3A] {strides = array<i32>} : memref<2048xf32, #tpu.memory_space<vmem>>, vector<16xf32>,
        %get3A_221 = vector.shape_cast %get3A_220 : vector<16xf32> to vector<16xf32>
        %bitcast_convert_type3A = tpu.bitcast %get3A_221 : vector<16xf32> -> vector<16xi32>
        %shift_right_arithmetic3A = arith.constant 31 : i32
        %shift_right_arithmetic3A_222 = vector.broadcast %shift_right_arithmetic3A : i32 to vector<16xi32>
        %shift_right_arithmetic3A_223 = arith.shrsi %bitcast_convert_type3A, %shift_right_arithmetic3A_222 : vector<16xi32>
        %and3A = arith.constant 2147483647 : i32
        %and3A_224 = vector.broadcast %and3A : i32 to vector<16xi32>
        %and3A_225 = arith.andi %shift_right_arithmetic3A_223, %and3A_224 : vector<16xi32>
        %xor3A_226 = arith.xori %bitcast_convert_type3A, %and3A_225 : vector<16xi32>
        %mul3A_227 = arith.constant 16 : i32
        %mul3A_228 = arith.muli %scan3A_217, %mul3A_227 : i32
        %iota3A_229 = tpu.iota {dimensions = array<i32: 0>} : vector<16xi32>
        %add3A_230 = vector.broadcast %mul3A_228 : i32 to vector<16xi32>
        %add3A_231 = arith.addi %add3A_230, %iota3A_229 : vector<16xi32>
        %eq3A_232 = arith.constant 0 : i32
        %eq3A_233 = vector.broadcast %eq3A_232 : i32 to vector<16xi32>
        %eq3A_234 = arith.cmpi eq, %add3A_231, %eq3A_233 : vector<16xi32>
        %eq3A_235 = arith.cmpi eq, %add3A_231, %sub3A_65 : vector<16xi32>
        %or3A_236 = arith.ori %eq3A_234, %eq3A_235 : vector<16xi1>
        %broadcast_in_dim3A_237 = arith.constant -2147483648 : i32
        %broadcast_in_dim3A_238 = vector.broadcast %broadcast_in_dim3A_237 : i32 to vector<16xi32>
        %select_n3A_239 = arith.select %or3A_236, %broadcast_in_dim3A_238, %xor3A_226 : vector<16xi1>, vector<16xi32>
        %mul3A_240 = arith.constant 16 : i32
        %mul3A_241 = arith.muli %scan3A_217, %mul3A_240 : i32
        %swap3A = arith.index_cast %mul3A_241 : i32 to index
        %swap3A_242 = tpu.vector_load %arg7[%swap3A] {strides = array<i32>} : memref<2048xi32, #tpu.memory_space<vmem>>, vector<16xi32>,
        %swap3A_243 = vector.shape_cast %swap3A_242 : vector<16xi32> to vector<16xi32>
        %swap3A_244 = vector.shape_cast %select_n3A_239 : vector<16xi32> to vector<16xi32>
        tpu.vector_store %arg7[%swap3A], %swap3A_244 {strides = array<i32>} : memref<2048xi32, #tpu.memory_space<vmem>>, vector<16xi32>,
      }
      %scan3A_76 = arith.constant 128 : i32
      %scan3A_77 = arith.constant 0 : i32
      %scan3A_78 = arith.constant 32 : i32
      %scan3A_79 = arith.addi %scan3A_77, %scan3A_78 : i32
      %scan3A_80 = arith.constant 1 : i32
      %scan3A_81 = scf.for %scan3A_217 = %scan3A_77 to %scan3A_79 step %scan3A_80 iter_args(%scan3A_218 = %broadcast_in_dim3A_5) -> (vector<16xi32>)  : i32 {
        %sub3A_219 = arith.constant 31 : i32
        %sub3A_220 = arith.subi %sub3A_219, %scan3A_217 : i32
        %shift_left3A = arith.constant 1 : i32
        %shift_left3A_221 = arith.shli %shift_left3A, %sub3A_220 : i32
        %or3A_222 = vector.broadcast %shift_left3A_221 : i32 to vector<16xi32>
        %or3A_223 = arith.ori %scan3A_218, %or3A_222 : vector<16xi32>
        %xor3A_224 = arith.constant -2147483648 : i32
        %xor3A_225 = vector.broadcast %xor3A_224 : i32 to vector<16xi32>
        %xor3A_226 = arith.xori %or3A_223, %xor3A_225 : vector<16xi32>
        %scan3A_227 = arith.constant 0 : i32
        %scan3A_228 = arith.constant 128 : i32
        %scan3A_229 = arith.addi %scan3A_227, %scan3A_228 : i32
        %scan3A_230 = arith.constant 1 : i32
        %scan3A_231 = scf.for %scan3A_291 = %scan3A_227 to %scan3A_229 step %scan3A_230 iter_args(%scan3A_292 = %broadcast_in_dim3A_5) -> (vector<16xi32>)  : i32 {
          %mul3A_293 = arith.constant 16 : i32
          %mul3A_294 = arith.muli %scan3A_291, %mul3A_293 : i32
          %get3A = arith.index_cast %mul3A_294 : i32 to index
          %get3A_295 = tpu.vector_load %arg7[%get3A] {strides = array<i32>} : memref<2048xi32, #tpu.memory_space<vmem>>, vector<16xi32>,
          %get3A_296 = vector.shape_cast %get3A_295 : vector<16xi32> to vector<16xi32>
          %ge3A_297 = arith.cmpi sge, %get3A_296, %xor3A_226 : vector<16xi32>
          %select_n3A_298 = arith.select %ge3A_297, %broadcast_in_dim3A_3, %broadcast_in_dim3A_5 : vector<16xi1>, vector<16xi32>
          %add3A_299 = arith.addi %scan3A_292, %select_n3A_298 : vector<16xi32>
          scf.yield %add3A_299 : vector<16xi32>
        }
        %scan3A_232 = arith.constant 128 : i32
        %iota3A_233 = tpu.iota {dimensions = array<i32: 0>} : vector<16xi32>
        %xor3A_234 = arith.constant 8 : i32
        %xor3A_235 = vector.broadcast %xor3A_234 : i32 to vector<16xi32>
        %xor3A_236 = arith.xori %iota3A_233, %xor3A_235 : vector<16xi32>
        %lt3A_237 = arith.constant 0 : i32
        %lt3A_238 = vector.broadcast %lt3A_237 : i32 to vector<16xi32>
        %lt3A_239 = arith.cmpi slt, %xor3A_236, %lt3A_238 : vector<16xi32>
        %add3A_240 = arith.constant 16 : i32
        %add3A_241 = vector.broadcast %add3A_240 : i32 to vector<16xi32>
        %add3A_242 = arith.addi %xor3A_236, %add3A_241 : vector<16xi32>
        %select_n3A_243 = arith.select %lt3A_239, %add3A_242, %xor3A_236 : vector<16xi1>, vector<16xi32>
        %broadcast_in_dim3A_244 = vector.shape_cast %select_n3A_243 : vector<16xi32> to vector<16x1xi32>
        %gather3A_245 = vector.shape_cast %broadcast_in_dim3A_244 : vector<16x1xi32> to vector<16xi32>
        %gather3A_246 = tpu.dynamic_gather %scan3A_231[%gather3A_245] in [0] : vector<16xi32>, vector<16xi32> -> vector<16xi32>
        %add3A_247 = arith.addi %scan3A_231, %gather3A_246 : vector<16xi32>
        %xor3A_248 = arith.constant 4 : i32
        %xor3A_249 = vector.broadcast %xor3A_248 : i32 to vector<16xi32>
        %xor3A_250 = arith.xori %iota3A_233, %xor3A_249 : vector<16xi32>
        %lt3A_251 = arith.constant 0 : i32
        %lt3A_252 = vector.broadcast %lt3A_251 : i32 to vector<16xi32>
        %lt3A_253 = arith.cmpi slt, %xor3A_250, %lt3A_252 : vector<16xi32>
        %add3A_254 = arith.constant 16 : i32
        %add3A_255 = vector.broadcast %add3A_254 : i32 to vector<16xi32>
        %add3A_256 = arith.addi %xor3A_250, %add3A_255 : vector<16xi32>
        %select_n3A_257 = arith.select %lt3A_253, %add3A_256, %xor3A_250 : vector<16xi1>, vector<16xi32>
        %broadcast_in_dim3A_258 = vector.shape_cast %select_n3A_257 : vector<16xi32> to vector<16x1xi32>
        %gather3A_259 = vector.shape_cast %broadcast_in_dim3A_258 : vector<16x1xi32> to vector<16xi32>
        %gather3A_260 = tpu.dynamic_gather %add3A_247[%gather3A_259] in [0] : vector<16xi32>, vector<16xi32> -> vector<16xi32>
        %add3A_261 = arith.addi %add3A_247, %gather3A_260 : vector<16xi32>
        %xor3A_262 = arith.constant 2 : i32
        %xor3A_263 = vector.broadcast %xor3A_262 : i32 to vector<16xi32>
        %xor3A_264 = arith.xori %iota3A_233, %xor3A_263 : vector<16xi32>
        %lt3A_265 = arith.constant 0 : i32
        %lt3A_266 = vector.broadcast %lt3A_265 : i32 to vector<16xi32>
        %lt3A_267 = arith.cmpi slt, %xor3A_264, %lt3A_266 : vector<16xi32>
        %add3A_268 = arith.constant 16 : i32
        %add3A_269 = vector.broadcast %add3A_268 : i32 to vector<16xi32>
        %add3A_270 = arith.addi %xor3A_264, %add3A_269 : vector<16xi32>
        %select_n3A_271 = arith.select %lt3A_267, %add3A_270, %xor3A_264 : vector<16xi1>, vector<16xi32>
        %broadcast_in_dim3A_272 = vector.shape_cast %select_n3A_271 : vector<16xi32> to vector<16x1xi32>
        %gather3A_273 = vector.shape_cast %broadcast_in_dim3A_272 : vector<16x1xi32> to vector<16xi32>
        %gather3A_274 = tpu.dynamic_gather %add3A_261[%gather3A_273] in [0] : vector<16xi32>, vector<16xi32> -> vector<16xi32>
        %add3A_275 = arith.addi %add3A_261, %gather3A_274 : vector<16xi32>
        %xor3A_276 = arith.constant 1 : i32
        %xor3A_277 = vector.broadcast %xor3A_276 : i32 to vector<16xi32>
        %xor3A_278 = arith.xori %iota3A_233, %xor3A_277 : vector<16xi32>
        %lt3A_279 = arith.constant 0 : i32
        %lt3A_280 = vector.broadcast %lt3A_279 : i32 to vector<16xi32>
        %lt3A_281 = arith.cmpi slt, %xor3A_278, %lt3A_280 : vector<16xi32>
        %add3A_282 = arith.constant 16 : i32
        %add3A_283 = vector.broadcast %add3A_282 : i32 to vector<16xi32>
        %add3A_284 = arith.addi %xor3A_278, %add3A_283 : vector<16xi32>
        %select_n3A_285 = arith.select %lt3A_281, %add3A_284, %xor3A_278 : vector<16xi1>, vector<16xi32>
        %broadcast_in_dim3A_286 = vector.shape_cast %select_n3A_285 : vector<16xi32> to vector<16x1xi32>
        %gather3A_287 = vector.shape_cast %broadcast_in_dim3A_286 : vector<16x1xi32> to vector<16xi32>
        %gather3A_288 = tpu.dynamic_gather %add3A_275[%gather3A_287] in [0] : vector<16xi32>, vector<16xi32> -> vector<16xi32>
        %add3A_289 = arith.addi %add3A_275, %gather3A_288 : vector<16xi32>
        %ge3A = arith.cmpi sge, %add3A_289, %convert_element_type3A_70 : vector<16xi32>
        %select_n3A_290 = arith.select %ge3A, %or3A_223, %scan3A_218 : vector<16xi1>, vector<16xi32>
        scf.yield %select_n3A_290 : vector<16xi32>
      }
      %scan3A_82 = arith.constant 32 : i32
      %xor3A_83 = arith.constant -2147483648 : i32
      %xor3A_84 = vector.broadcast %xor3A_83 : i32 to vector<16xi32>
      %xor3A_85 = arith.xori %scan3A_81, %xor3A_84 : vector<16xi32>
      %scan3A_86 = arith.constant 0 : i32
      %scan3A_87 = arith.constant 128 : i32
      %scan3A_88 = arith.addi %scan3A_86, %scan3A_87 : i32
      %scan3A_89 = arith.constant 1 : i32
      %scan3A_90:2 = scf.for %scan3A_217 = %scan3A_86 to %scan3A_88 step %scan3A_89 iter_args(%scan3A_218 = %broadcast_in_dim3A_5, %scan3A_219 = %broadcast_in_dim3A_5) -> (vector<16xi32>, vector<16xi32>)  : i32 {
        %mul3A_220 = arith.constant 16 : i32
        %mul3A_221 = arith.muli %scan3A_217, %mul3A_220 : i32
        %get3A = arith.index_cast %mul3A_221 : i32 to index
        %get3A_222 = tpu.vector_load %arg7[%get3A] {strides = array<i32>} : memref<2048xi32, #tpu.memory_space<vmem>>, vector<16xi32>,
        %get3A_223 = vector.shape_cast %get3A_222 : vector<16xi32> to vector<16xi32>
        %gt3A = arith.cmpi sgt, %get3A_223, %xor3A_85 : vector<16xi32>
        %select_n3A_224 = arith.select %gt3A, %broadcast_in_dim3A_3, %broadcast_in_dim3A_5 : vector<16xi1>, vector<16xi32>
        %add3A_225 = arith.addi %scan3A_218, %select_n3A_224 : vector<16xi32>
        %gt3A_226 = arith.constant -2147483648 : i32
        %gt3A_227 = vector.broadcast %gt3A_226 : i32 to vector<16xi32>
        %gt3A_228 = arith.cmpi sgt, %get3A_223, %gt3A_227 : vector<16xi32>
        %select_n3A_229 = arith.select %gt3A_228, %broadcast_in_dim3A_3, %broadcast_in_dim3A_5 : vector<16xi1>, vector<16xi32>
        %add3A_230 = arith.addi %scan3A_219, %select_n3A_229 : vector<16xi32>
        scf.yield %add3A_225, %add3A_230 : vector<16xi32>, vector<16xi32>
      }
      %scan3A_91 = arith.constant 128 : i32
      %iota3A_92 = tpu.iota {dimensions = array<i32: 0>} : vector<16xi32>
      %xor3A_93 = arith.constant 8 : i32
      %xor3A_94 = vector.broadcast %xor3A_93 : i32 to vector<16xi32>
      %xor3A_95 = arith.xori %iota3A_92, %xor3A_94 : vector<16xi32>
      %lt3A_96 = arith.constant 0 : i32
      %lt3A_97 = vector.broadcast %lt3A_96 : i32 to vector<16xi32>
      %lt3A_98 = arith.cmpi slt, %xor3A_95, %lt3A_97 : vector<16xi32>
      %add3A_99 = arith.constant 16 : i32
      %add3A_100 = vector.broadcast %add3A_99 : i32 to vector<16xi32>
      %add3A_101 = arith.addi %xor3A_95, %add3A_100 : vector<16xi32>
      %select_n3A_102 = arith.select %lt3A_98, %add3A_101, %xor3A_95 : vector<16xi1>, vector<16xi32>
      %broadcast_in_dim3A_103 = vector.shape_cast %select_n3A_102 : vector<16xi32> to vector<16x1xi32>
      %gather3A_104 = vector.shape_cast %broadcast_in_dim3A_103 : vector<16x1xi32> to vector<16xi32>
      %gather3A_105 = tpu.dynamic_gather %scan3A_90#0[%gather3A_104] in [0] : vector<16xi32>, vector<16xi32> -> vector<16xi32>
      %add3A_106 = arith.addi %scan3A_90#0, %gather3A_105 : vector<16xi32>
      %xor3A_107 = arith.constant 4 : i32
      %xor3A_108 = vector.broadcast %xor3A_107 : i32 to vector<16xi32>
      %xor3A_109 = arith.xori %iota3A_92, %xor3A_108 : vector<16xi32>
      %lt3A_110 = arith.constant 0 : i32
      %lt3A_111 = vector.broadcast %lt3A_110 : i32 to vector<16xi32>
      %lt3A_112 = arith.cmpi slt, %xor3A_109, %lt3A_111 : vector<16xi32>
      %add3A_113 = arith.constant 16 : i32
      %add3A_114 = vector.broadcast %add3A_113 : i32 to vector<16xi32>
      %add3A_115 = arith.addi %xor3A_109, %add3A_114 : vector<16xi32>
      %select_n3A_116 = arith.select %lt3A_112, %add3A_115, %xor3A_109 : vector<16xi1>, vector<16xi32>
      %broadcast_in_dim3A_117 = vector.shape_cast %select_n3A_116 : vector<16xi32> to vector<16x1xi32>
      %gather3A_118 = vector.shape_cast %broadcast_in_dim3A_117 : vector<16x1xi32> to vector<16xi32>
      %gather3A_119 = tpu.dynamic_gather %add3A_106[%gather3A_118] in [0] : vector<16xi32>, vector<16xi32> -> vector<16xi32>
      %add3A_120 = arith.addi %add3A_106, %gather3A_119 : vector<16xi32>
      %xor3A_121 = arith.constant 2 : i32
      %xor3A_122 = vector.broadcast %xor3A_121 : i32 to vector<16xi32>
      %xor3A_123 = arith.xori %iota3A_92, %xor3A_122 : vector<16xi32>
      %lt3A_124 = arith.constant 0 : i32
      %lt3A_125 = vector.broadcast %lt3A_124 : i32 to vector<16xi32>
      %lt3A_126 = arith.cmpi slt, %xor3A_123, %lt3A_125 : vector<16xi32>
      %add3A_127 = arith.constant 16 : i32
      %add3A_128 = vector.broadcast %add3A_127 : i32 to vector<16xi32>
      %add3A_129 = arith.addi %xor3A_123, %add3A_128 : vector<16xi32>
      %select_n3A_130 = arith.select %lt3A_126, %add3A_129, %xor3A_123 : vector<16xi1>, vector<16xi32>
      %broadcast_in_dim3A_131 = vector.shape_cast %select_n3A_130 : vector<16xi32> to vector<16x1xi32>
      %gather3A_132 = vector.shape_cast %broadcast_in_dim3A_131 : vector<16x1xi32> to vector<16xi32>
      %gather3A_133 = tpu.dynamic_gather %add3A_120[%gather3A_132] in [0] : vector<16xi32>, vector<16xi32> -> vector<16xi32>
      %add3A_134 = arith.addi %add3A_120, %gather3A_133 : vector<16xi32>
      %xor3A_135 = arith.constant 1 : i32
      %xor3A_136 = vector.broadcast %xor3A_135 : i32 to vector<16xi32>
      %xor3A_137 = arith.xori %iota3A_92, %xor3A_136 : vector<16xi32>
      %lt3A_138 = arith.constant 0 : i32
      %lt3A_139 = vector.broadcast %lt3A_138 : i32 to vector<16xi32>
      %lt3A_140 = arith.cmpi slt, %xor3A_137, %lt3A_139 : vector<16xi32>
      %add3A_141 = arith.constant 16 : i32
      %add3A_142 = vector.broadcast %add3A_141 : i32 to vector<16xi32>
      %add3A_143 = arith.addi %xor3A_137, %add3A_142 : vector<16xi32>
      %select_n3A_144 = arith.select %lt3A_140, %add3A_143, %xor3A_137 : vector<16xi1>, vector<16xi32>
      %broadcast_in_dim3A_145 = vector.shape_cast %select_n3A_144 : vector<16xi32> to vector<16x1xi32>
      %gather3A_146 = vector.shape_cast %broadcast_in_dim3A_145 : vector<16x1xi32> to vector<16xi32>
      %gather3A_147 = tpu.dynamic_gather %add3A_134[%gather3A_146] in [0] : vector<16xi32>, vector<16xi32> -> vector<16xi32>
      %add3A_148 = arith.addi %add3A_134, %gather3A_147 : vector<16xi32>
      %iota3A_149 = tpu.iota {dimensions = array<i32: 0>} : vector<16xi32>
      %xor3A_150 = arith.constant 8 : i32
      %xor3A_151 = vector.broadcast %xor3A_150 : i32 to vector<16xi32>
      %xor3A_152 = arith.xori %iota3A_149, %xor3A_151 : vector<16xi32>
      %lt3A_153 = arith.constant 0 : i32
      %lt3A_154 = vector.broadcast %lt3A_153 : i32 to vector<16xi32>
      %lt3A_155 = arith.cmpi slt, %xor3A_152, %lt3A_154 : vector<16xi32>
      %add3A_156 = arith.constant 16 : i32
      %add3A_157 = vector.broadcast %add3A_156 : i32 to vector<16xi32>
      %add3A_158 = arith.addi %xor3A_152, %add3A_157 : vector<16xi32>
      %select_n3A_159 = arith.select %lt3A_155, %add3A_158, %xor3A_152 : vector<16xi1>, vector<16xi32>
      %broadcast_in_dim3A_160 = vector.shape_cast %select_n3A_159 : vector<16xi32> to vector<16x1xi32>
      %gather3A_161 = vector.shape_cast %broadcast_in_dim3A_160 : vector<16x1xi32> to vector<16xi32>
      %gather3A_162 = tpu.dynamic_gather %scan3A_90#1[%gather3A_161] in [0] : vector<16xi32>, vector<16xi32> -> vector<16xi32>
      %add3A_163 = arith.addi %scan3A_90#1, %gather3A_162 : vector<16xi32>
      %xor3A_164 = arith.constant 4 : i32
      %xor3A_165 = vector.broadcast %xor3A_164 : i32 to vector<16xi32>
      %xor3A_166 = arith.xori %iota3A_149, %xor3A_165 : vector<16xi32>
      %lt3A_167 = arith.constant 0 : i32
      %lt3A_168 = vector.broadcast %lt3A_167 : i32 to vector<16xi32>
      %lt3A_169 = arith.cmpi slt, %xor3A_166, %lt3A_168 : vector<16xi32>
      %add3A_170 = arith.constant 16 : i32
      %add3A_171 = vector.broadcast %add3A_170 : i32 to vector<16xi32>
      %add3A_172 = arith.addi %xor3A_166, %add3A_171 : vector<16xi32>
      %select_n3A_173 = arith.select %lt3A_169, %add3A_172, %xor3A_166 : vector<16xi1>, vector<16xi32>
      %broadcast_in_dim3A_174 = vector.shape_cast %select_n3A_173 : vector<16xi32> to vector<16x1xi32>
      %gather3A_175 = vector.shape_cast %broadcast_in_dim3A_174 : vector<16x1xi32> to vector<16xi32>
      %gather3A_176 = tpu.dynamic_gather %add3A_163[%gather3A_175] in [0] : vector<16xi32>, vector<16xi32> -> vector<16xi32>
      %add3A_177 = arith.addi %add3A_163, %gather3A_176 : vector<16xi32>
      %xor3A_178 = arith.constant 2 : i32
      %xor3A_179 = vector.broadcast %xor3A_178 : i32 to vector<16xi32>
      %xor3A_180 = arith.xori %iota3A_149, %xor3A_179 : vector<16xi32>
      %lt3A_181 = arith.constant 0 : i32
      %lt3A_182 = vector.broadcast %lt3A_181 : i32 to vector<16xi32>
      %lt3A_183 = arith.cmpi slt, %xor3A_180, %lt3A_182 : vector<16xi32>
      %add3A_184 = arith.constant 16 : i32
      %add3A_185 = vector.broadcast %add3A_184 : i32 to vector<16xi32>
      %add3A_186 = arith.addi %xor3A_180, %add3A_185 : vector<16xi32>
      %select_n3A_187 = arith.select %lt3A_183, %add3A_186, %xor3A_180 : vector<16xi1>, vector<16xi32>
      %broadcast_in_dim3A_188 = vector.shape_cast %select_n3A_187 : vector<16xi32> to vector<16x1xi32>
      %gather3A_189 = vector.shape_cast %broadcast_in_dim3A_188 : vector<16x1xi32> to vector<16xi32>
      %gather3A_190 = tpu.dynamic_gather %add3A_177[%gather3A_189] in [0] : vector<16xi32>, vector<16xi32> -> vector<16xi32>
      %add3A_191 = arith.addi %add3A_177, %gather3A_190 : vector<16xi32>
      %xor3A_192 = arith.constant 1 : i32
      %xor3A_193 = vector.broadcast %xor3A_192 : i32 to vector<16xi32>
      %xor3A_194 = arith.xori %iota3A_149, %xor3A_193 : vector<16xi32>
      %lt3A_195 = arith.constant 0 : i32
      %lt3A_196 = vector.broadcast %lt3A_195 : i32 to vector<16xi32>
      %lt3A_197 = arith.cmpi slt, %xor3A_194, %lt3A_196 : vector<16xi32>
      %add3A_198 = arith.constant 16 : i32
      %add3A_199 = vector.broadcast %add3A_198 : i32 to vector<16xi32>
      %add3A_200 = arith.addi %xor3A_194, %add3A_199 : vector<16xi32>
      %select_n3A_201 = arith.select %lt3A_197, %add3A_200, %xor3A_194 : vector<16xi1>, vector<16xi32>
      %broadcast_in_dim3A_202 = vector.shape_cast %select_n3A_201 : vector<16xi32> to vector<16x1xi32>
      %gather3A_203 = vector.shape_cast %broadcast_in_dim3A_202 : vector<16x1xi32> to vector<16xi32>
      %gather3A_204 = tpu.dynamic_gather %add3A_191[%gather3A_203] in [0] : vector<16xi32>, vector<16xi32> -> vector<16xi32>
      %add3A_205 = arith.addi %add3A_191, %gather3A_204 : vector<16xi32>
      %sub3A_206 = arith.subi %convert_element_type3A_70, %add3A_148 : vector<16xi32>
      %eq3A = arith.constant 0 : i32
      %eq3A_207 = vector.broadcast %eq3A : i32 to vector<16xi32>
      %eq3A_208 = arith.cmpi eq, %add3A_205, %eq3A_207 : vector<16xi32>
      %le3A = arith.constant 0 : i32
      %le3A_209 = vector.broadcast %le3A : i32 to vector<16xi32>
      %le3A_210 = arith.cmpi sle, %convert_element_type3A_70, %le3A_209 : vector<16xi32>
      %or3A = arith.ori %eq3A_208, %le3A_210 : vector<16xi1>
      %scan3A_211 = arith.constant 0 : i32
      %scan3A_212 = arith.constant 128 : i32
      %scan3A_213 = arith.addi %scan3A_211, %scan3A_212 : i32
      %scan3A_214 = arith.constant 1 : i32
      %scan3A_215 = scf.for %scan3A_217 = %scan3A_211 to %scan3A_213 step %scan3A_214 iter_args(%scan3A_218 = %broadcast_in_dim3A_5) -> (vector<16xi32>)  : i32 {
        %mul3A_219 = arith.constant 16 : i32
        %mul3A_220 = arith.muli %scan3A_217, %mul3A_219 : i32
        %get3A = arith.index_cast %mul3A_220 : i32 to index
        %get3A_221 = tpu.vector_load %arg7[%get3A] {strides = array<i32>} : memref<2048xi32, #tpu.memory_space<vmem>>, vector<16xi32>,
        %get3A_222 = vector.shape_cast %get3A_221 : vector<16xi32> to vector<16xi32>
        %eq3A_223 = arith.cmpi eq, %get3A_222, %xor3A_85 : vector<16xi32>
        %select_n3A_224 = arith.select %eq3A_223, %broadcast_in_dim3A_3, %broadcast_in_dim3A_5 : vector<16xi1>, vector<16xi32>
        %iota3A_225 = tpu.iota {dimensions = array<i32: 0>} : vector<16xi32>
        %broadcast_in_dim3A_226 = arith.constant 0 : i32
        %broadcast_in_dim3A_227 = vector.broadcast %broadcast_in_dim3A_226 : i32 to vector<16xi32>
        %sub3A_228 = arith.constant 1 : i32
        %sub3A_229 = vector.broadcast %sub3A_228 : i32 to vector<16xi32>
        %sub3A_230 = arith.subi %iota3A_225, %sub3A_229 : vector<16xi32>
        %max3A = arith.constant 0 : i32
        %max3A_231 = vector.broadcast %max3A : i32 to vector<16xi32>
        %max3A_232 = arith.maxsi %sub3A_230, %max3A_231 : vector<16xi32>
        %lt3A_233 = arith.constant 0 : i32
        %lt3A_234 = vector.broadcast %lt3A_233 : i32 to vector<16xi32>
        %lt3A_235 = arith.cmpi slt, %max3A_232, %lt3A_234 : vector<16xi32>
        %add3A_236 = arith.constant 16 : i32
        %add3A_237 = vector.broadcast %add3A_236 : i32 to vector<16xi32>
        %add3A_238 = arith.addi %max3A_232, %add3A_237 : vector<16xi32>
        %select_n3A_239 = arith.select %lt3A_235, %add3A_238, %max3A_232 : vector<16xi1>, vector<16xi32>
        %broadcast_in_dim3A_240 = vector.shape_cast %select_n3A_239 : vector<16xi32> to vector<16x1xi32>
        %gather3A_241 = vector.shape_cast %broadcast_in_dim3A_240 : vector<16x1xi32> to vector<16xi32>
        %gather3A_242 = tpu.dynamic_gather %select_n3A_224[%gather3A_241] in [0] : vector<16xi32>, vector<16xi32> -> vector<16xi32>
        %ge3A = arith.constant 1 : i32
        %ge3A_243 = vector.broadcast %ge3A : i32 to vector<16xi32>
        %ge3A_244 = arith.cmpi sge, %iota3A_225, %ge3A_243 : vector<16xi32>
        %select_n3A_245 = arith.select %ge3A_244, %gather3A_242, %broadcast_in_dim3A_227 : vector<16xi1>, vector<16xi32>
        %add3A_246 = arith.addi %select_n3A_224, %select_n3A_245 : vector<16xi32>
        %sub3A_247 = arith.constant 2 : i32
        %sub3A_248 = vector.broadcast %sub3A_247 : i32 to vector<16xi32>
        %sub3A_249 = arith.subi %iota3A_225, %sub3A_248 : vector<16xi32>
        %max3A_250 = arith.constant 0 : i32
        %max3A_251 = vector.broadcast %max3A_250 : i32 to vector<16xi32>
        %max3A_252 = arith.maxsi %sub3A_249, %max3A_251 : vector<16xi32>
        %lt3A_253 = arith.constant 0 : i32
        %lt3A_254 = vector.broadcast %lt3A_253 : i32 to vector<16xi32>
        %lt3A_255 = arith.cmpi slt, %max3A_252, %lt3A_254 : vector<16xi32>
        %add3A_256 = arith.constant 16 : i32
        %add3A_257 = vector.broadcast %add3A_256 : i32 to vector<16xi32>
        %add3A_258 = arith.addi %max3A_252, %add3A_257 : vector<16xi32>
        %select_n3A_259 = arith.select %lt3A_255, %add3A_258, %max3A_252 : vector<16xi1>, vector<16xi32>
        %broadcast_in_dim3A_260 = vector.shape_cast %select_n3A_259 : vector<16xi32> to vector<16x1xi32>
        %gather3A_261 = vector.shape_cast %broadcast_in_dim3A_260 : vector<16x1xi32> to vector<16xi32>
        %gather3A_262 = tpu.dynamic_gather %add3A_246[%gather3A_261] in [0] : vector<16xi32>, vector<16xi32> -> vector<16xi32>
        %ge3A_263 = arith.constant 2 : i32
        %ge3A_264 = vector.broadcast %ge3A_263 : i32 to vector<16xi32>
        %ge3A_265 = arith.cmpi sge, %iota3A_225, %ge3A_264 : vector<16xi32>
        %select_n3A_266 = arith.select %ge3A_265, %gather3A_262, %broadcast_in_dim3A_227 : vector<16xi1>, vector<16xi32>
        %add3A_267 = arith.addi %add3A_246, %select_n3A_266 : vector<16xi32>
        %sub3A_268 = arith.constant 4 : i32
        %sub3A_269 = vector.broadcast %sub3A_268 : i32 to vector<16xi32>
        %sub3A_270 = arith.subi %iota3A_225, %sub3A_269 : vector<16xi32>
        %max3A_271 = arith.constant 0 : i32
        %max3A_272 = vector.broadcast %max3A_271 : i32 to vector<16xi32>
        %max3A_273 = arith.maxsi %sub3A_270, %max3A_272 : vector<16xi32>
        %lt3A_274 = arith.constant 0 : i32
        %lt3A_275 = vector.broadcast %lt3A_274 : i32 to vector<16xi32>
        %lt3A_276 = arith.cmpi slt, %max3A_273, %lt3A_275 : vector<16xi32>
        %add3A_277 = arith.constant 16 : i32
        %add3A_278 = vector.broadcast %add3A_277 : i32 to vector<16xi32>
        %add3A_279 = arith.addi %max3A_273, %add3A_278 : vector<16xi32>
        %select_n3A_280 = arith.select %lt3A_276, %add3A_279, %max3A_273 : vector<16xi1>, vector<16xi32>
        %broadcast_in_dim3A_281 = vector.shape_cast %select_n3A_280 : vector<16xi32> to vector<16x1xi32>
        %gather3A_282 = vector.shape_cast %broadcast_in_dim3A_281 : vector<16x1xi32> to vector<16xi32>
        %gather3A_283 = tpu.dynamic_gather %add3A_267[%gather3A_282] in [0] : vector<16xi32>, vector<16xi32> -> vector<16xi32>
        %ge3A_284 = arith.constant 4 : i32
        %ge3A_285 = vector.broadcast %ge3A_284 : i32 to vector<16xi32>
        %ge3A_286 = arith.cmpi sge, %iota3A_225, %ge3A_285 : vector<16xi32>
        %select_n3A_287 = arith.select %ge3A_286, %gather3A_283, %broadcast_in_dim3A_227 : vector<16xi1>, vector<16xi32>
        %add3A_288 = arith.addi %add3A_267, %select_n3A_287 : vector<16xi32>
        %sub3A_289 = arith.constant 8 : i32
        %sub3A_290 = vector.broadcast %sub3A_289 : i32 to vector<16xi32>
        %sub3A_291 = arith.subi %iota3A_225, %sub3A_290 : vector<16xi32>
        %max3A_292 = arith.constant 0 : i32
        %max3A_293 = vector.broadcast %max3A_292 : i32 to vector<16xi32>
        %max3A_294 = arith.maxsi %sub3A_291, %max3A_293 : vector<16xi32>
        %lt3A_295 = arith.constant 0 : i32
        %lt3A_296 = vector.broadcast %lt3A_295 : i32 to vector<16xi32>
        %lt3A_297 = arith.cmpi slt, %max3A_294, %lt3A_296 : vector<16xi32>
        %add3A_298 = arith.constant 16 : i32
        %add3A_299 = vector.broadcast %add3A_298 : i32 to vector<16xi32>
        %add3A_300 = arith.addi %max3A_294, %add3A_299 : vector<16xi32>
        %select_n3A_301 = arith.select %lt3A_297, %add3A_300, %max3A_294 : vector<16xi1>, vector<16xi32>
        %broadcast_in_dim3A_302 = vector.shape_cast %select_n3A_301 : vector<16xi32> to vector<16x1xi32>
        %gather3A_303 = vector.shape_cast %broadcast_in_dim3A_302 : vector<16x1xi32> to vector<16xi32>
        %gather3A_304 = tpu.dynamic_gather %add3A_288[%gather3A_303] in [0] : vector<16xi32>, vector<16xi32> -> vector<16xi32>
        %ge3A_305 = arith.constant 8 : i32
        %ge3A_306 = vector.broadcast %ge3A_305 : i32 to vector<16xi32>
        %ge3A_307 = arith.cmpi sge, %iota3A_225, %ge3A_306 : vector<16xi32>
        %select_n3A_308 = arith.select %ge3A_307, %gather3A_304, %broadcast_in_dim3A_227 : vector<16xi1>, vector<16xi32>
        %add3A_309 = arith.addi %add3A_288, %select_n3A_308 : vector<16xi32>
        %add3A_310 = arith.addi %scan3A_218, %add3A_309 : vector<16xi32>
        %le3A_311 = arith.cmpi sle, %add3A_310, %sub3A_206 : vector<16xi32>
        %and3A = arith.andi %eq3A_223, %le3A_311 : vector<16xi1>
        %mul3A_312 = arith.constant 16 : i32
        %mul3A_313 = arith.muli %scan3A_217, %mul3A_312 : i32
        %iota3A_314 = tpu.iota {dimensions = array<i32: 0>} : vector<16xi32>
        %add3A_315 = vector.broadcast %mul3A_313 : i32 to vector<16xi32>
        %add3A_316 = arith.addi %add3A_315, %iota3A_314 : vector<16xi32>
        %eq3A_317 = arith.constant 0 : i32
        %eq3A_318 = vector.broadcast %eq3A_317 : i32 to vector<16xi32>
        %eq3A_319 = arith.cmpi eq, %add3A_316, %eq3A_318 : vector<16xi32>
        %eq3A_320 = arith.cmpi eq, %add3A_316, %sub3A_65 : vector<16xi32>
        %or3A_321 = arith.ori %eq3A_319, %eq3A_320 : vector<16xi1>
        %gt3A = arith.cmpi sgt, %get3A_222, %xor3A_85 : vector<16xi32>
        %or3A_322 = arith.ori %gt3A, %and3A : vector<16xi1>
        %or3A_323 = arith.ori %or3A_322, %or3A_321 : vector<16xi1>
        %broadcast_in_dim3A_324 = arith.constant 1.000000e+00 : f32
        %broadcast_in_dim3A_325 = vector.broadcast %broadcast_in_dim3A_324 : f32 to vector<16xf32>
        %broadcast_in_dim3A_326 = arith.constant 0.000000e+00 : f32
        %broadcast_in_dim3A_327 = vector.broadcast %broadcast_in_dim3A_326 : f32 to vector<16xf32>
        %select_n3A_328 = arith.select %or3A_323, %broadcast_in_dim3A_325, %broadcast_in_dim3A_327 : vector<16xi1>, vector<16xf32>
        %mul3A_329 = arith.constant 16 : i32
        %mul3A_330 = arith.muli %scan3A_217, %mul3A_329 : i32
        %get3A_331 = arith.index_cast %mul3A_330 : i32 to index
        %get3A_332 = tpu.vector_load %arg6[%get3A_331] {strides = array<i32>} : memref<2048xf32, #tpu.memory_space<vmem>>, vector<16xf32>,
        %get3A_333 = vector.shape_cast %get3A_332 : vector<16xf32> to vector<16xf32>
        %select_n3A_334 = arith.select %or3A, %get3A_333, %select_n3A_328 : vector<16xi1>, vector<16xf32>
        %mul3A_335 = arith.constant 16 : i32
        %mul3A_336 = arith.muli %scan3A_217, %mul3A_335 : i32
        %swap3A = arith.index_cast %mul3A_336 : i32 to index
        %swap3A_337 = tpu.vector_load %arg8[%swap3A] {strides = array<i32>} : memref<2048xf32, #tpu.memory_space<vmem>>, vector<16xf32>,
        %swap3A_338 = vector.shape_cast %swap3A_337 : vector<16xf32> to vector<16xf32>
        %swap3A_339 = vector.shape_cast %select_n3A_334 : vector<16xf32> to vector<16xf32>
        tpu.vector_store %arg8[%swap3A], %swap3A_339 {strides = array<i32>} : memref<2048xf32, #tpu.memory_space<vmem>>, vector<16xf32>,
        %iota3A_340 = tpu.iota {dimensions = array<i32: 0>} : vector<16xi32>
        %xor3A_341 = arith.constant 8 : i32
        %xor3A_342 = vector.broadcast %xor3A_341 : i32 to vector<16xi32>
        %xor3A_343 = arith.xori %iota3A_340, %xor3A_342 : vector<16xi32>
        %lt3A_344 = arith.constant 0 : i32
        %lt3A_345 = vector.broadcast %lt3A_344 : i32 to vector<16xi32>
        %lt3A_346 = arith.cmpi slt, %xor3A_343, %lt3A_345 : vector<16xi32>
        %add3A_347 = arith.constant 16 : i32
        %add3A_348 = vector.broadcast %add3A_347 : i32 to vector<16xi32>
        %add3A_349 = arith.addi %xor3A_343, %add3A_348 : vector<16xi32>
        %select_n3A_350 = arith.select %lt3A_346, %add3A_349, %xor3A_343 : vector<16xi1>, vector<16xi32>
        %broadcast_in_dim3A_351 = vector.shape_cast %select_n3A_350 : vector<16xi32> to vector<16x1xi32>
        %gather3A_352 = vector.shape_cast %broadcast_in_dim3A_351 : vector<16x1xi32> to vector<16xi32>
        %gather3A_353 = tpu.dynamic_gather %select_n3A_224[%gather3A_352] in [0] : vector<16xi32>, vector<16xi32> -> vector<16xi32>
        %add3A_354 = arith.addi %select_n3A_224, %gather3A_353 : vector<16xi32>
        %xor3A_355 = arith.constant 4 : i32
        %xor3A_356 = vector.broadcast %xor3A_355 : i32 to vector<16xi32>
        %xor3A_357 = arith.xori %iota3A_340, %xor3A_356 : vector<16xi32>
        %lt3A_358 = arith.constant 0 : i32
        %lt3A_359 = vector.broadcast %lt3A_358 : i32 to vector<16xi32>
        %lt3A_360 = arith.cmpi slt, %xor3A_357, %lt3A_359 : vector<16xi32>
        %add3A_361 = arith.constant 16 : i32
        %add3A_362 = vector.broadcast %add3A_361 : i32 to vector<16xi32>
        %add3A_363 = arith.addi %xor3A_357, %add3A_362 : vector<16xi32>
        %select_n3A_364 = arith.select %lt3A_360, %add3A_363, %xor3A_357 : vector<16xi1>, vector<16xi32>
        %broadcast_in_dim3A_365 = vector.shape_cast %select_n3A_364 : vector<16xi32> to vector<16x1xi32>
        %gather3A_366 = vector.shape_cast %broadcast_in_dim3A_365 : vector<16x1xi32> to vector<16xi32>
        %gather3A_367 = tpu.dynamic_gather %add3A_354[%gather3A_366] in [0] : vector<16xi32>, vector<16xi32> -> vector<16xi32>
        %add3A_368 = arith.addi %add3A_354, %gather3A_367 : vector<16xi32>
        %xor3A_369 = arith.constant 2 : i32
        %xor3A_370 = vector.broadcast %xor3A_369 : i32 to vector<16xi32>
        %xor3A_371 = arith.xori %iota3A_340, %xor3A_370 : vector<16xi32>
        %lt3A_372 = arith.constant 0 : i32
        %lt3A_373 = vector.broadcast %lt3A_372 : i32 to vector<16xi32>
        %lt3A_374 = arith.cmpi slt, %xor3A_371, %lt3A_373 : vector<16xi32>
        %add3A_375 = arith.constant 16 : i32
        %add3A_376 = vector.broadcast %add3A_375 : i32 to vector<16xi32>
        %add3A_377 = arith.addi %xor3A_371, %add3A_376 : vector<16xi32>
        %select_n3A_378 = arith.select %lt3A_374, %add3A_377, %xor3A_371 : vector<16xi1>, vector<16xi32>
        %broadcast_in_dim3A_379 = vector.shape_cast %select_n3A_378 : vector<16xi32> to vector<16x1xi32>
        %gather3A_380 = vector.shape_cast %broadcast_in_dim3A_379 : vector<16x1xi32> to vector<16xi32>
        %gather3A_381 = tpu.dynamic_gather %add3A_368[%gather3A_380] in [0] : vector<16xi32>, vector<16xi32> -> vector<16xi32>
        %add3A_382 = arith.addi %add3A_368, %gather3A_381 : vector<16xi32>
        %xor3A_383 = arith.constant 1 : i32
        %xor3A_384 = vector.broadcast %xor3A_383 : i32 to vector<16xi32>
        %xor3A_385 = arith.xori %iota3A_340, %xor3A_384 : vector<16xi32>
        %lt3A_386 = arith.constant 0 : i32
        %lt3A_387 = vector.broadcast %lt3A_386 : i32 to vector<16xi32>
        %lt3A_388 = arith.cmpi slt, %xor3A_385, %lt3A_387 : vector<16xi32>
        %add3A_389 = arith.constant 16 : i32
        %add3A_390 = vector.broadcast %add3A_389 : i32 to vector<16xi32>
        %add3A_391 = arith.addi %xor3A_385, %add3A_390 : vector<16xi32>
        %select_n3A_392 = arith.select %lt3A_388, %add3A_391, %xor3A_385 : vector<16xi1>, vector<16xi32>
        %broadcast_in_dim3A_393 = vector.shape_cast %select_n3A_392 : vector<16xi32> to vector<16x1xi32>
        %gather3A_394 = vector.shape_cast %broadcast_in_dim3A_393 : vector<16x1xi32> to vector<16xi32>
        %gather3A_395 = tpu.dynamic_gather %add3A_382[%gather3A_394] in [0] : vector<16xi32>, vector<16xi32> -> vector<16xi32>
        %add3A_396 = arith.addi %add3A_382, %gather3A_395 : vector<16xi32>
        %add3A_397 = arith.addi %scan3A_218, %add3A_396 : vector<16xi32>
        scf.yield %add3A_397 : vector<16xi32>
      }
      %scan3A_216 = arith.constant 128 : i32
      "tpu.region"() ({
        %run_scoped3A = tpu.sem_alloc : memref<!tpu.dma_semaphore, #tpu.memory_space<semaphore_mem>>
        %dma_start3A = arith.constant 0 : i32
        %dma_start3A_217 = tpu.memref_slice %arg4[%add3A, %dma_start3A] : memref<1x2048xf32, #tpu.memory_space<hbm>> -> memref<1x2048xf32, #tpu.memory_space<hbm>>
        %dma_start3A_218 = tpu.memref_squeeze %dma_start3A_217 : memref<1x2048xf32, #tpu.memory_space<hbm>> -> memref<2048xf32, #tpu.memory_space<hbm>>
        %dma_start3A_219 = arith.constant 0 : i32
        %dma_start3A_220 = tpu.memref_slice %arg4[%add3A, %dma_start3A_219] : memref<1x2048xf32, #tpu.memory_space<hbm>> -> memref<1x2048xf32, #tpu.memory_space<hbm>>
        %dma_start3A_221 = tpu.memref_squeeze %dma_start3A_220 : memref<1x2048xf32, #tpu.memory_space<hbm>> -> memref<2048xf32, #tpu.memory_space<hbm>>
        tpu.enqueue_dma source(%arg8 : memref<2048xf32, #tpu.memory_space<vmem>>) target(%dma_start3A_221 : memref<2048xf32, #tpu.memory_space<hbm>>) target_semaphore(%run_scoped3A : memref<!tpu.dma_semaphore, #tpu.memory_space<semaphore_mem>>)
        %dma_wait3A = arith.constant 0 : i32
        %dma_wait3A_222 = tpu.memref_slice %arg4[%add3A, %dma_wait3A] : memref<1x2048xf32, #tpu.memory_space<hbm>> -> memref<1x2048xf32, #tpu.memory_space<hbm>>
        %dma_wait3A_223 = tpu.memref_squeeze %dma_wait3A_222 : memref<1x2048xf32, #tpu.memory_space<hbm>> -> memref<2048xf32, #tpu.memory_space<hbm>>
        %dma_wait3A_224 = arith.constant 0 : i32
        %dma_wait3A_225 = tpu.memref_slice %arg4[%add3A, %dma_wait3A_224] : memref<1x2048xf32, #tpu.memory_space<hbm>> -> memref<1x2048xf32, #tpu.memory_space<hbm>>
        %dma_wait3A_226 = tpu.memref_squeeze %dma_wait3A_225 : memref<1x2048xf32, #tpu.memory_space<hbm>> -> memref<2048xf32, #tpu.memory_space<hbm>>
        tpu.wait_dma2 semaphore(%run_scoped3A : memref<!tpu.dma_semaphore, #tpu.memory_space<semaphore_mem>>) src(%arg8 : memref<2048xf32, #tpu.memory_space<vmem>>) dst(%dma_wait3A_226 : memref<2048xf32, #tpu.memory_space<hbm>>)
        tpu.yield
      }) : () -> ()
    } else {
    }
    return
  }
}

module attributes {stable_mosaic.version = 14 : i64} {
  func.func @_reduce_body(%arg0: i32, %arg1: memref<1x1024x2048xf32, #tpu.memory_space<vmem>>, %arg2: memref<1x1x2048xf32, #tpu.memory_space<vmem>>) attributes {dimension_semantics = [#tpu.dimension_semantics<arbitrary>], iteration_bounds = array<i64: 24>, scalar_prefetch = 0 : i64, scratch_operands = 0 : i64, tpu.core_type = #tpu.core_type<tc>, window_params = [{transform_indices = @transform_0, window_bounds = array<i64: 1, 1024, 2048>}, {pipeline_mode = #tpu.pipeline_mode<synchronous>, transform_indices = @transform_1, window_bounds = array<i64: 1, 1, 2048>}]} {
    %eq3A = arith.constant 0 : i32
    %eq3A_0 = arith.cmpi eq, %arg0, %eq3A : i32
    %convert_element_type3A = arith.extui %eq3A_0 : i1 to i32
    %cond3A = arith.constant 0 : i32
    %cond3A_1 = arith.cmpi ne, %convert_element_type3A, %cond3A : i32
    scf.if %cond3A_1 {
      %broadcast_in_dim3A_18 = arith.constant 0.000000e+00 : f32
      %broadcast_in_dim3A_19 = vector.broadcast %broadcast_in_dim3A_18 : f32 to vector<1x1x2048xf32>
      %swap3A_20 = arith.constant 0 : index
      %swap3A_21 = arith.constant 0 : index
      %swap3A_22 = arith.constant 0 : index
      %swap3A_23 = vector.load %arg2[%swap3A_20, %swap3A_21, %swap3A_22] : memref<1x1x2048xf32, #tpu.memory_space<vmem>>, vector<1x1x2048xf32>
      tpu.vector_store %arg2[%swap3A_20, %swap3A_21, %swap3A_22], %broadcast_in_dim3A_19 {strides = array<i32>} : memref<1x1x2048xf32, #tpu.memory_space<vmem>>, vector<1x1x2048xf32>,
    } else {
    }
    %get3A = arith.constant 0 : index
    %get3A_2 = arith.constant 0 : index
    %get3A_3 = arith.constant 0 : index
    %get3A_4 = vector.load %arg2[%get3A, %get3A_2, %get3A_3] : memref<1x1x2048xf32, #tpu.memory_space<vmem>>, vector<1x1x2048xf32>
    %get3A_5 = arith.constant 0 : index
    %get3A_6 = arith.constant 0 : index
    %get3A_7 = arith.constant 0 : index
    %get3A_8 = vector.load %arg1[%get3A_5, %get3A_6, %get3A_7] : memref<1x1024x2048xf32, #tpu.memory_space<vmem>>, vector<1x1024x2048xf32>
    %reduce_sum3A = arith.constant dense<0.000000e+00> : vector<1x2048xf32>
    %reduce_sum3A_9 = vector.multi_reduction <add>, %get3A_8, %reduce_sum3A [1] : vector<1x1024x2048xf32> to vector<1x2048xf32>
    %broadcast_in_dim3A = vector.shape_cast %reduce_sum3A_9 : vector<1x2048xf32> to vector<1x1x2048xf32>
    %add3A = arith.addf %get3A_4, %broadcast_in_dim3A : vector<1x1x2048xf32>
    %swap3A = arith.constant 0 : index
    %swap3A_10 = arith.constant 0 : index
    %swap3A_11 = arith.constant 0 : index
    %swap3A_12 = vector.load %arg2[%swap3A, %swap3A_10, %swap3A_11] : memref<1x1x2048xf32, #tpu.memory_space<vmem>>, vector<1x1x2048xf32>
    tpu.vector_store %arg2[%swap3A, %swap3A_10, %swap3A_11], %add3A {strides = array<i32>} : memref<1x1x2048xf32, #tpu.memory_space<vmem>>, vector<1x1x2048xf32>,
    %eq3A_13 = arith.constant 23 : i32
    %eq3A_14 = arith.cmpi eq, %arg0, %eq3A_13 : i32
    %convert_element_type3A_15 = arith.extui %eq3A_14 : i1 to i32
    %cond3A_16 = arith.constant 0 : i32
    %cond3A_17 = arith.cmpi ne, %convert_element_type3A_15, %cond3A_16 : i32
    scf.if %cond3A_17 {
      %get3A_18 = arith.constant 0 : index
      %get3A_19 = arith.constant 0 : index
      %get3A_20 = arith.constant 0 : index
      %get3A_21 = vector.load %arg2[%get3A_18, %get3A_19, %get3A_20] : memref<1x1x2048xf32, #tpu.memory_space<vmem>>, vector<1x1x2048xf32>
      %div3A = arith.constant 2.457600e+04 : f32
      %div3A_22 = vector.broadcast %div3A : f32 to vector<1x1x2048xf32>
      %div3A_23 = arith.divf %get3A_21, %div3A_22 : vector<1x1x2048xf32>
      %swap3A_24 = arith.constant 0 : index
      %swap3A_25 = arith.constant 0 : index
      %swap3A_26 = arith.constant 0 : index
      %swap3A_27 = vector.load %arg2[%swap3A_24, %swap3A_25, %swap3A_26] : memref<1x1x2048xf32, #tpu.memory_space<vmem>>, vector<1x1x2048xf32>
      tpu.vector_store %arg2[%swap3A_24, %swap3A_25, %swap3A_26], %div3A_23 {strides = array<i32>} : memref<1x1x2048xf32, #tpu.memory_space<vmem>>, vector<1x1x2048xf32>,
    } else {
    }
    return
  }
  func.func @transform_0(%arg0: i32) -> (i32, i32, i32) {
    %c0_i32 = arith.constant 0 : i32
    %c0_i32_0 = arith.constant 0 : i32
    %c0_i32_1 = arith.constant 0 : i32
    return %c0_i32, %arg0, %c0_i32_0 : i32, i32, i32
  }
  func.func @transform_1(%arg0: i32) -> (i32, i32, i32) {
    %c0_i32 = arith.constant 0 : i32
    %c0_i32_0 = arith.constant 0 : i32
    %c0_i32_1 = arith.constant 0 : i32
    %c0_i32_2 = arith.constant 0 : i32
    return %c0_i32, %c0_i32_0, %c0_i32_1 : i32, i32, i32
  }
}

module attributes {stable_mosaic.version = 14 : i64} {
  func.func @_reduce_body(%arg0: i32, %arg1: memref<1x1024x2048xf32, #tpu.memory_space<vmem>>, %arg2: memref<1x1x2048xf32, #tpu.memory_space<vmem>>) attributes {dimension_semantics = [#tpu.dimension_semantics<arbitrary>], iteration_bounds = array<i64: 24>, scalar_prefetch = 0 : i64, scratch_operands = 0 : i64, tpu.core_type = #tpu.core_type<tc>, window_params = [{transform_indices = @transform_0, window_bounds = array<i64: 1, 1024, 2048>}, {pipeline_mode = #tpu.pipeline_mode<synchronous>, transform_indices = @transform_1, window_bounds = array<i64: 1, 1, 2048>}]} {
    %eq3A = arith.constant 0 : i32
    %eq3A_0 = arith.cmpi eq, %arg0, %eq3A : i32
    %convert_element_type3A = arith.extui %eq3A_0 : i1 to i32
    %cond3A = arith.constant 0 : i32
    %cond3A_1 = arith.cmpi ne, %convert_element_type3A, %cond3A : i32
    scf.if %cond3A_1 {
      %broadcast_in_dim3A_18 = arith.constant 0.000000e+00 : f32
      %broadcast_in_dim3A_19 = vector.broadcast %broadcast_in_dim3A_18 : f32 to vector<1x1x2048xf32>
      %swap3A_20 = arith.constant 0 : index
      %swap3A_21 = arith.constant 0 : index
      %swap3A_22 = arith.constant 0 : index
      %swap3A_23 = vector.load %arg2[%swap3A_20, %swap3A_21, %swap3A_22] : memref<1x1x2048xf32, #tpu.memory_space<vmem>>, vector<1x1x2048xf32>
      tpu.vector_store %arg2[%swap3A_20, %swap3A_21, %swap3A_22], %broadcast_in_dim3A_19 {strides = array<i32>} : memref<1x1x2048xf32, #tpu.memory_space<vmem>>, vector<1x1x2048xf32>,
    } else {
    }
    %get3A = arith.constant 0 : index
    %get3A_2 = arith.constant 0 : index
    %get3A_3 = arith.constant 0 : index
    %get3A_4 = vector.load %arg2[%get3A, %get3A_2, %get3A_3] : memref<1x1x2048xf32, #tpu.memory_space<vmem>>, vector<1x1x2048xf32>
    %get3A_5 = arith.constant 0 : index
    %get3A_6 = arith.constant 0 : index
    %get3A_7 = arith.constant 0 : index
    %get3A_8 = vector.load %arg1[%get3A_5, %get3A_6, %get3A_7] : memref<1x1024x2048xf32, #tpu.memory_space<vmem>>, vector<1x1024x2048xf32>
    %reduce_sum3A = arith.constant dense<0.000000e+00> : vector<1x2048xf32>
    %reduce_sum3A_9 = vector.multi_reduction <add>, %get3A_8, %reduce_sum3A [1] : vector<1x1024x2048xf32> to vector<1x2048xf32>
    %broadcast_in_dim3A = vector.shape_cast %reduce_sum3A_9 : vector<1x2048xf32> to vector<1x1x2048xf32>
    %add3A = arith.addf %get3A_4, %broadcast_in_dim3A : vector<1x1x2048xf32>
    %swap3A = arith.constant 0 : index
    %swap3A_10 = arith.constant 0 : index
    %swap3A_11 = arith.constant 0 : index
    %swap3A_12 = vector.load %arg2[%swap3A, %swap3A_10, %swap3A_11] : memref<1x1x2048xf32, #tpu.memory_space<vmem>>, vector<1x1x2048xf32>
    tpu.vector_store %arg2[%swap3A, %swap3A_10, %swap3A_11], %add3A {strides = array<i32>} : memref<1x1x2048xf32, #tpu.memory_space<vmem>>, vector<1x1x2048xf32>,
    %eq3A_13 = arith.constant 23 : i32
    %eq3A_14 = arith.cmpi eq, %arg0, %eq3A_13 : i32
    %convert_element_type3A_15 = arith.extui %eq3A_14 : i1 to i32
    %cond3A_16 = arith.constant 0 : i32
    %cond3A_17 = arith.cmpi ne, %convert_element_type3A_15, %cond3A_16 : i32
    scf.if %cond3A_17 {
      %get3A_18 = arith.constant 0 : index
      %get3A_19 = arith.constant 0 : index
      %get3A_20 = arith.constant 0 : index
      %get3A_21 = vector.load %arg2[%get3A_18, %get3A_19, %get3A_20] : memref<1x1x2048xf32, #tpu.memory_space<vmem>>, vector<1x1x2048xf32>
      %div3A = arith.constant 2.457600e+04 : f32
      %div3A_22 = vector.broadcast %div3A : f32 to vector<1x1x2048xf32>
      %div3A_23 = arith.divf %get3A_21, %div3A_22 : vector<1x1x2048xf32>
      %swap3A_24 = arith.constant 0 : index
      %swap3A_25 = arith.constant 0 : index
      %swap3A_26 = arith.constant 0 : index
      %swap3A_27 = vector.load %arg2[%swap3A_24, %swap3A_25, %swap3A_26] : memref<1x1x2048xf32, #tpu.memory_space<vmem>>, vector<1x1x2048xf32>
      tpu.vector_store %arg2[%swap3A_24, %swap3A_25, %swap3A_26], %div3A_23 {strides = array<i32>} : memref<1x1x2048xf32, #tpu.memory_space<vmem>>, vector<1x1x2048xf32>,
    } else {
    }
    return
  }
  func.func @transform_0(%arg0: i32) -> (i32, i32, i32) {
    %c1_i32 = arith.constant 1 : i32
    %c0_i32 = arith.constant 0 : i32
    %c0_i32_0 = arith.constant 0 : i32
    return %c1_i32, %arg0, %c0_i32 : i32, i32, i32
  }
  func.func @transform_1(%arg0: i32) -> (i32, i32, i32) {
    %c0_i32 = arith.constant 0 : i32
    %c0_i32_0 = arith.constant 0 : i32
    %c0_i32_1 = arith.constant 0 : i32
    %c0_i32_2 = arith.constant 0 : i32
    return %c0_i32, %c0_i32_0, %c0_i32_1 : i32, i32, i32
  }
}

</mosaic_0001>

<sc_bundles>
// kernel: kernel.6.cloned.1.call-start
scs
__scs_entry_jumppad:
0x0: {  	(pc) =	sbr.rel $0x88, $3  }
0x1: {  	(tag) =	ssettag $0x0;
	lr =	simm.s32 $0x1  }
0x2: {  	[smem:$0x3F9F] =	sst lr;
	_ =	strace $0xD0000000  }
0x3: {  	_ = 	snop  }
0x4: {  	_ = 	snop  }
0x5: {  	_ = 	snop  }
0x6: {  	_ = 	snop  }
0x7: {  	_ = 	snop  }
__scs_overlays_trampoline_lowered:
0x8: {  	[smem:$0x3FAE] =	sst s0  }
0x9: {  	[smem:$0x3FAF] =	sst s1  }
0xa: {  	[smem:$0x3FB0] =	sst s2  }
0xb: {  	[smem:$0x3FB1] =	sst s3  }
0xc: {  	[smem:$0x3FB2] =	sst s4  }
0xd: {  	[smem:$0x3FB3] =	sst s5  }
0xe: {  	[smem:$0x3FB4] =	sst s6  }
0xf: {  	[smem:$0x3FB5] =	sst s7  }
0x10: {  	[smem:$0x3FB6] =	sst s8  }
0x11: {  	[smem:$0x3FB7] =	sst s9;
	s0 =	simm.s32 @!p0 $0x0  }
0x12: {  	s1 =	sld [smem:$0x3F9D];
	s0 =	simm.s32 @p0 $0x1  }
0x13: {  	[smem:$0x3FB8] =	sst s0;
	s0 =	simm.s32 @!p1 $0x0  }
0x14: {  	s2 =	sld [smem:$0x3F9C];
	s0 =	simm.s32 @p1 $0x1  }
0x15: {  	[smem:$0x3FB9] =	sst s0;
	s0 =	simm.s32 @!p2 $0x0  }
0x16: {  	s3 =	sld [smem:$0x3FDB];
	s0 =	simm.s32 @p2 $0x1  }
0x17: {  	s4 =	simm.s32 $0x1BF5;
	[smem:$0x3FBB] =	sst s0  }
0x18: {  	s0 =	sld [smem:$0x3F9E];
	_ =	swait.ge [sflag:s4], $0x0  }
0x19: {  	s7 =	sld [smem:$0x3F9F]  }
0x1a: {  	s8 =	sadd.s32 $0xFFFFE003, lr  }
0x1b: {  	s9 =	sadd.s32 $0xFFFFFEF7, lr;
	s5 =	simm.s32 $0xFFFFFFFF;
	p2 =	slt.u32 s8, $0xFFFFF086  }
0x1c: {  	p1 =	slt.u32 s9, $0xF7A;
	s5 =	simm.s32 @!p2 $0x0  }
0x1d: {  	s5 =	simm.s32 @p1 $0x1;
	p0 =	seq.s32 s7, s2  }
0x1e: {  	s7 =	smul.u32 @!p0 $0xF7A, s2;
	p2 =	seq.s32 @!p0 s5, $0x0  }
0x1f: {  	s9 =	smul.u32 $0xF7A, s1;
	s8 =	simm.s32 @!p0 $0x1BF5;
	p2 =	por !p2, p0  }
0x20: {  	[sflag:s8] =	ssyncset.s32 @!p0 $0xFFFFF086;
	s6 =	sadd.s32 @!p0 s3, s7;
	s7 =	simm.s32 @!p0 $0x108  }
0x21: {  	s3 =	sadd.s32 s3, s9;
	s6 =	sadd.s32 @!p0 $0x88, s6;
	s7 =	simm.s32 @p2 $0x1082  }
0x22: {  	[simem:s7], [sflag:s8] =	dma.local @!p0 [hbm:s6], $0xF7A  }
0x23: {  	s9 =	sor.u32 $0xD0000000, s2;
	s6 =	simm.s32 $0x108;
	_ =	swait.ge @!p0 [sflag:s8], $0x0  }
0x24: {  	s3 =	sadd.s32 $0x88, s3;
	s6 =	simm.s32 @!p1 $0x1082;
	[sflag:s4] =	ssyncset.s32 $0xFFFFF086  }
0x25: {  	[simem:s6], [sflag:s4] =	dma.local [hbm:s3], $0xF7A  }
0x26: {  	[smem:$0x3F9F] =	sst s1;
	(tag) =	ssettag s2;
	_ =	strace s9  }
0x27: {  	s1 =	sld [smem:$0x3FAF]  }
0x28: {  	s2 =	sld [smem:$0x3FB0]  }
0x29: {  	s4 =	sld [smem:$0x3FB2]  }
0x2a: {  	p0 =	seq.s32 s5, $0x0;
	s5 =	sld [smem:$0x3FB3]  }
0x2b: {  	s6 =	sld [smem:$0x3FB4]  }
0x2c: {  	s7 =	sld [smem:$0x3FB5]  }
0x2d: {  	s3 =	simm.s32 $0x108;
	s8 =	sld [smem:$0x3FB6]  }
0x2e: {  	s3 =	simm.s32 @!p0 $0x1082;
	s9 =	sld [smem:$0x3FB7]  }
0x2f: {  	lr =	sadd.s32 s0, s3;
	s0 =	sld [smem:$0x3FAE]  }
0x30: {  	s3 =	sld [smem:$0x3FB1]  }
0x31: {  	[smem:$0x3FBA] =	sst s10  }
0x32: {  	s10 =	sld [smem:$0x3FB8];
	_ =	sdelay $0x3  }
0x33: {  	p0 =	seq.s32 s10, $0x1;
	s10 =	sld [smem:$0x3FBA];
	_ =	sdelay $0x3  }
0x34: {  	[smem:$0x3FBA] =	sst s10  }
0x35: {  	s10 =	sld [smem:$0x3FB9];
	_ =	sdelay $0x3  }
0x36: {  	p1 =	seq.s32 s10, $0x1;
	s10 =	sld [smem:$0x3FBA];
	_ =	sdelay $0x3  }
0x37: {  	[smem:$0x3FBA] =	sst s10  }
0x38: {  	s10 =	sld [smem:$0x3FBB]  }
0x39: {  	_ = 	snop;
	(pc) =	sbr.ind lr, $3  }
0x3a: {  	_ = 	snop  }
0x3b: {  	_ = 	snop  }
0x3c: {  	p2 =	seq.s32 s10, $0x1;
	s10 =	sld [smem:$0x3FBA]  }
0x3d: {  	_ =	shalt  }
0x3e: {  	_ =	shalt  }
0x3f: {  	_ =	shalt  }
0x40: {  	_ =	shalt  }
0x41: {  	_ =	shalt  }
0x42: {  	_ =	shalt  }
0x43: {  	_ =	shalt  }
0x44: {  	_ =	shalt  }
0x45: {  	_ =	shalt  }
0x46: {  	_ =	shalt  }
0x47: {  	_ =	shalt  }
0x48: {  	_ =	shalt  }
0x49: {  	_ =	shalt  }
0x4a: {  	_ =	shalt  }
0x4b: {  	_ =	shalt  }
0x4c: {  	_ =	shalt  }
0x4d: {  	_ =	shalt  }
0x4e: {  	_ =	shalt  }
0x4f: {  	_ =	shalt  }
0x50: {  	_ =	shalt  }
0x51: {  	_ =	shalt  }
0x52: {  	_ =	shalt  }
0x53: {  	_ =	shalt  }
0x54: {  	_ =	shalt  }
0x55: {  	_ =	shalt  }
0x56: {  	_ =	shalt  }
0x57: {  	_ =	shalt  }
0x58: {  	_ =	shalt  }
0x59: {  	_ =	shalt  }
0x5a: {  	_ =	shalt  }
0x5b: {  	_ =	shalt  }
0x5c: {  	_ =	shalt  }
0x5d: {  	_ =	shalt  }
0x5e: {  	_ =	shalt  }
0x5f: {  	_ =	shalt  }
0x60: {  	_ =	shalt  }
0x61: {  	_ =	shalt  }
0x62: {  	_ =	shalt  }
0x63: {  	_ =	shalt  }
0x64: {  	_ =	shalt  }
0x65: {  	_ =	shalt  }
0x66: {  	_ =	shalt  }
0x67: {  	_ =	shalt  }
0x68: {  	_ =	shalt  }
0x69: {  	_ =	shalt  }
0x6a: {  	_ =	shalt  }
0x6b: {  	_ =	shalt  }
0x6c: {  	_ =	shalt  }
0x6d: {  	_ =	shalt  }
0x6e: {  	_ =	shalt  }
0x6f: {  	_ =	shalt  }
0x70: {  	_ =	shalt  }
0x71: {  	_ =	shalt  }
0x72: {  	_ =	shalt  }
0x73: {  	_ =	shalt  }
0x74: {  	_ =	shalt  }
0x75: {  	_ =	shalt  }
0x76: {  	_ =	shalt  }
0x77: {  	_ =	shalt  }
0x78: {  	_ =	shalt  }
0x79: {  	_ =	shalt  }
0x7a: {  	_ =	shalt  }
0x7b: {  	_ =	shalt  }
0x7c: {  	_ =	shalt  }
0x7d: {  	_ =	shalt  }
0x7e: {  	_ =	shalt  }
0x7f: {  	_ =	shalt  }
0x80: {  	_ =	shalt  }
0x81: {  	_ =	shalt  }
0x82: {  	_ =	shalt  }
0x83: {  	_ =	shalt  }
0x84: {  	_ =	shalt  }
0x85: {  	_ =	shalt  }
0x86: {  	_ =	shalt  }
0x87: {  	_ =	shalt  }
.Lfunc_end0:
.L_simem_size_0:
called_computation_lowered:
.L_overlay_start_0:
0x88: {  	s2 =	sld [smem:$0x3FD9]  }
0x89: {  	s3 =	sld [smem:$0x3FFE];
	_ =	sdelay $0x1  }
0x8a: {  	s1 =	srdreg.scid  }
0x8b: {  	s0 =	sand.u32 $0x1, s1  }
0x8c: {  	s17 =	sshll.u32 s0, $0xA;
	s2 =	sadd.s32 s3, s2  }
0x8d: {  	s2 =	sadd.s32 s2, s17  }
0x8e: {  	[smem:$0x3FC6] =	sst s2  }
0x8f: {  	_ = 	snop  }
0x90: {  	(tm) =	ssettm $0x1  }
0x91: {  	s18 =	sld [smem:$0x3FFB];
	_ =	sdelay $0x3  }
0x92: {  	_ =	strace s18  }
0x93: {  	s2 =	sld [smem:$0x3FFC];
	_ =	sdelay $0x3  }
0x94: {  	_ =	strace s2  }
0x95: {  	s2 =	sld [smem:$0x3FFD];
	_ =	sdelay $0x3  }
0x96: {  	_ =	strace s2  }
0x97: {  	_ =	strace $0x8FFFFFFF  }
0x98: {  	s19 =	sld [smem:$0x3FDB];
	_ =	sdelay $0x1  }
0x99: {  	s20 =	simm.s32 $_scs_section_size  }
0x9a: {  	s4 =	simm.s32 $_size__tile_overlayer_lowered;
	s5 =	simm.s32 $_tile_overlayer_lowered  }
0x9b: {  	s6 =	simm.s32 $0x1BFF;
	s21 =	sshll.u32 s5, $0x1;
	s3 =	sadd.s32 s20, s19  }
0x9c: {  	s22 =	simm.s32 $0x0;
	s4 =	sshll.u32 s4, $0x1;
	s5 =	sadd.s32 s21, s3  }
0x9d: {  	[timem:s22], [sflag:s6] =	dma.local [hbm:s5], s4  }
0x9e: {  	_ =	swait.ge [sflag:s6], s4  }
0x9f: {  	s4 =	ssub.s32 $0x0, s4;
	[sflag:s6] =	ssyncset.done $0x0  }
0xa0: {  	[sflag:s6] =	ssyncadd.s32 s4;
	_ =	sdelay $0x1  }
0xa1: {  	s23 =	simm.s32 $0x1B8B  }
0xa2: {  	_ =	swait.ge [sflag:s23], $0x1  }
0xa3: {  	[sflag:s23] =	ssyncset.done $0x0  }
0xa4: {  	[sflag:s23] =	ssyncadd.s32 $0xFFFFFFFF  }
0xa5: {  	s4 =	sld [smem:$0x0]  }
0xa6: {  	s5 =	sand.u32 $0xFFFFFFFE, s1  }
0xa7: {  	p0 =	sne.s32 s1, s5  }
0xa8: {  	s5 =	sshll.u32 @p0 s5, $0xE  }
0xa9: {  	s5 =	sadd.s32 @p0 $0x11B8D, s5;
	s6 =	sshll.u32 @p0 s4, $0x11  }
0xaa: {  	s5 =	sor.u32 @p0 s6, s5  }
0xab: {  	[sflag:s5] =	ssyncadd.remote.s32 @p0 $0x1;
	_ =	sdelay $0x1  }
0xac: {  	s5 =	simm.s32 @p0 $0x1B8D  }
0xad: {  	_ =	swait.eq @p0 [sflag:s5], $0x1  }
0xae: {  	[sflag:s5] =	ssyncadd.s32 @p0 $0xFFFFFFFF  }
0xaf: {  	s6 =	sshll.u32 @!p0 s1, $0xE  }
0xb0: {  	s6 =	sor.u32 @!p0 $0x4000, s6;
	s5 =	simm.s32 @!p0 $0x1B8D  }
0xb1: {  	s4 =	sshll.u32 @!p0 s4, $0x11;
	s6 =	sadd.s32 @!p0 $0x11B8D, s6;
	_ =	swait.eq @!p0 [sflag:s5], $0x1  }
0xb2: {  	s4 =	sor.u32 @!p0 s4, s6;
	[sflag:s5] =	ssyncadd.s32 @!p0 $0xFFFFFFFF  }
0xb3: {  	s25 =	simm.s32 $0x1B8E;
	s24 =	sld [smem:$0x3FFE];
	[sflag:s4] =	ssyncadd.remote.s32 @!p0 $0x1  }
0xb4: {  	s26 =	simm.s32 $execute0_lowered;
	[smem:$0x3FD2] =	sst s25  }
0xb5: {  	s5 =	sshll.u32 s26, $0x1;
	_ =	strace $0x80000049;
	[dreg:$0x1] =	wrdreg $0xFFFFFFFF  }
0xb6: {  	s28 =	simm.s32 $_size_execute0_lowered;
	s3 =	sadd.s32 s3, s5;
	[dreg:$0x0] =	wrdreg $0x0  }
0xb7: {  	s5 =	sshll.u32 s28, $0x1;
	[dreg:$0x2] =	wrdreg s3  }
0xb8: {  	[dreg:$0x3] =	wrdreg s5  }
0xb9: {  	[dreg:$0x4] =	wrdreg $0xC0  }
0xba: {  	_ =	task [dreg:s22], $0x5FFFF  }
0xbb: {  	[dreg:$0x1] =	wrdreg $0xFFFFFFFF  }
0xbc: {  	[dreg:$0x0] =	wrdreg $0x60  }
0xbd: {  	[dreg:$0x2] =	wrdreg s24  }
0xbe: {  	[dreg:$0x3] =	wrdreg $0x9  }
0xbf: {  	_ =	task.clear_ibuf [dreg:s22], $0x4FFFF;
	_ =	strace $0x90000049  }
0xc0: {  	s29 =	simm.s32 $0x9;
	_ =	strace $0x8000004B  }
0xc1: {  	_ =	swait.ge [sflag:s29], $0x1  }
0xc2: {  	[sflag:s29] =	ssyncadd.s32 $0xFFFFFFFF  }
0xc3: {  	_ =	strace $0x9000004B  }
0xc4: {  	_ =	sfence  }
0xc5: {  	s30 =	sld [smem:$0x0];
	_ =	sdelay $0x2  }
0xc6: {  	s31 =	sshll.u32 s1, $0xD;
	s1 =	sshrl.u32 s1, $0x2  }
0xc7: {  	s4 =	sand.u32 $0x4000, s31;
	s1 =	sadd.s32 s1, s30  }
0xc8: {  	s0 =	sor.u32 s4, s0;
	s1 =	sshll.u32 s1, $0x11  }
0xc9: {  	s0 =	sor.u32 s1, s0  }
0xca: {  	s0 =	sadd.s32 $0x8F2B, s0  }
0xcb: {  	[sflag:s0] =	ssyncadd.remote.s32 $0x1  }
0xcc: {  	_ =	sfence.sel $0xFFFF  }
0xcd: {  	[dreg:$0x0] =	wrdreg $0xFFFFFFFF;
	(pc) =	sbr.abs _section_cstart, $3  }
0xce: {  	[dreg:$0x1] =	wrdreg $0xFFFFFFFF  }
0xcf: {  	_ =	task.clear_ibuf [dreg:s22], $0x2FFFF;
	_ =	strace $0x9FFFFFFF  }
0xd0: {  	(tm) =	ssettm $0x7FFFFFFF  }
0xd1: {  	_ =	shalt  }
tec
execute0_lowered:
.L_overlay_start_1:
0x0: {  	(tag) =	ssettag $0x1  }
0x1: {  	s0 =	srdreg.scid  }
0x2: {  	s1 =	stileid.u32;
	s4 =	sand.u32 $0x1, s0  }
0x3: {  	s3 =	sor.u32 s4, s1  }
0x4: {  	p0 =	sne.s32 s3, $0x0  }
.Ltmp0:
0x5: {  	_ = 	snop;
	(pc) =	sbr.rel @p0 .LBB2_15-.Ltmp0, $4  }
0x6: {  	_ = 	snop  }
0x7: {  	s5 =	rddreg [dreg:$0x0];
	s2 =	simm.s32 $0x0  }
0x8: {  	[smem:$0x7FF] =	sst s2  }
0x9: {  	s0 =	rddreg [dreg:$0x1];
	_ =	strace $0x8000004A  }
0xa: {  	v0 =	vimm.s32 $0xFEDCBA98  }
0xb: {  	v1 =	vimm.s32 $0x76543210;
	v3 =	vimm.s32 $0x32107654;
	v4 =	vimm.s32 $0xDCFE98BA  }
0xc: {  	v5 =	vimm.s32 $0x54761032;
	v6 =	vimm.s32 $0xEFCDAB89;
	v0 =	vunpack.c.l.s4.s8 v0  }
0xd: {  	v7 =	vimm.s32 $0x67452301;
	v9 =	vimm.s32 $0xEDCBA987;
	v1 =	vunpack.c.l.s4.s8 v1  }
0xe: {  	v10 =	vimm.s32 $0x65432100;
	v11 =	vimm.s32 $0xDCBA9876;
	v0 =	vunpack.c.0.s8.s32 v0  }
0xf: {  	v12 =	vimm.s32 $0xBA987654;
	v13 =	vimm.s32 $0x32100000;
	v1 =	vunpack.c.0.s8.s32 v1  }
0x10: {  	v14 =	vimm.s32 $0xE40000;
	vm0 =	vmmov $0x3;
	v2 =	vand.u32 $0xF, v0  }
0x11: {  	vm1 =	vmmov $0xf;
	v1 =	vcombine.low v2, v1;
	v2 =	vimm.s32 $0xBA98FEDC  }
0x12: {  	vm2 =	vcmask $0x3F30;
	v3 =	vunpack.c.l.s4.s8 v3;
	v2 =	vunpack.c.l.s4.s8 v2  }
0x13: {  	v4 =	vunpack.c.l.s4.s8 v4;
	v5 =	vunpack.c.l.s4.s8 v5;
	v9 =	vunpack.c.l.s4.s8 v9  }
0x14: {  	v8 =	vunpack.c.0.s8.s32 v2;
	v2 =	vunpack.c.l.s4.s8 v6;
	v6 =	vunpack.c.l.s4.s8 v7  }
0x15: {  	v3 =	vunpack.c.0.s8.s32 v3;
	v4 =	vunpack.c.0.s8.s32 v4;
	v5 =	vunpack.c.0.s8.s32 v5  }
0x16: {  	v7 =	vunpack.c.0.s8.s32 v2;
	v6 =	vunpack.c.0.s8.s32 v6;
	v2 =	vlaneseq.u32  }
0x17: {  	v10 =	vunpack.c.l.s4.s8 v10;
	v3 =	vcombine.low v3, v8;
	v8 =	vmul.u32 $0xFFFFFFFF, v2  }
0x18: {  	v11 =	vunpack.c.l.s4.s8 v11;
	v4 =	vcombine.low v5, v4;
	v5 =	vcombine.low v6, v7  }
0x19: {  	v6 =	vadd.s32 $0xFFFFFFFF, v8;
	v8 =	vunpack.c.0.s8.s32 v10;
	v10 =	vimm.s32 $0x54321000  }
0x1a: {  	v12 =	vunpack.c.l.s4.s8 v12;
	v14 =	vunpack.c.l.s2.s4 v14;
	v10 =	vunpack.c.l.s4.s8 v10  }
0x1b: {  	v13 =	vunpack.c.l.s4.s8 v13;
	v9 =	vunpack.c.0.s8.s32 v9;
	v11 =	vunpack.c.0.s8.s32 v11  }
0x1c: {  	v12 =	vunpack.c.0.s8.s32 v12;
	v14 =	vunpack.c.l.s4.s8 v14;
	v10 =	vunpack.c.0.s8.s32 v10  }
0x1d: {  	v13 =	vunpack.c.0.s8.s32 v13;
	v0 =	vimm.s32 $0x0;
	v11 =	vand.u32 $0xF, v11  }
0x1e: {  	v14 =	vunpack.c.0.s8.s32 v14;
	v10 =	vcombine.low v10, v11;
	v11 =	vand.u32 $0xF, v12  }
0x1f: {  	s3 =	sadd.s32 $0x1200, s5;
	s6 =	ssub.s32 $0x2, s4;
	v9 =	vand.u32 $0xF, v9;
	v11 =	vcombine.low v13, v11;
	v13 =	vimm.s32 $0x7060504  }
0x20: {  	s4 =	sadd.s32 $0x1400, s5;
	s5 =	sadd.s32 $0x1600, s5;
	s8 =	simm.s32 $0x800;
	v14 =	vand.u32 $0x3, v14;
	v7 =	vand.u32 $0xF, v3;
	v13 =	vunpack.c.0.s8.s32 v13  }
0x21: {  	s9 =	simm.s32 $0x80000000;
	s10 =	simm.s32 $0x1800;
	s7 =	sshrl.u32 s6, $0x1;
	v8 =	vcombine.low v8, v9;
	v9 =	vand.u32 $0xF, v4;
	v12 =	vand.u32 $0xF, v5  }
0x22: {  	s11 =	simm.s32 $0x0;
	s6 =	ssub.s32 s6, s7;
	s7 =	simm.s32 $0x1;
	v13 =	vsel vm2, v13, v14;
	vm2 =	vmmov $0xff;
	v14 =	vimm.f32 $0.0e+00  }
.LBB2_2:
0x23: {  	s12 =	simm.s32 $0x0  }
0x24: {  	[tilespmem:s12], [sflag:$0x1] =	stream.linear.gather [hbm4b:s3+s12], $0x800, $0x38;
	[tilespmem:$0x2000] =	vst v63  }
0x25: {  	_ =	swait.ge [sflag:s7], $0x800  }
0x26: {  	[sflag:s7] =	ssyncset.done $0x0  }
0x27: {  	[sflag:s7] =	ssyncadd.s32 $0xFFFFF800  }
0x28: {  	[tilespmem:s8], [sflag:$0x1] =	stream.linear.gather [hbm4b:s4+s12], $0x800, $0x38;
	[tilespmem:$0x2000] =	vst v63  }
0x29: {  	_ =	swait.ge [sflag:s7], $0x800  }
0x2a: {  	[sflag:s7] =	ssyncset.done $0x0  }
0x2b: {  	s13 =	simm.s32 $0x0;
	[sflag:s7] =	ssyncadd.s32 $0xFFFFF800  }
0x2c: {  	v15 =	vimm.s32 $0x0;
	s12 =	simm.s32 $0x40;
	v16 =	vld [tilespmem:s13+$0x800]  }
.LBB2_3:
0x2d: {  	_ =	sdelay $0x1  }
0x2e: {  	p0 =	sne.s32 s12, $0x1FC0  }
.Ltmp1:
0x2f: {  	_ = 	snop;
	(pc) =	sbr.rel @p0 .LBB2_3-.Ltmp1, $4  }
0x30: {  	vm3 =	vlt.f32 v16, $0.0e+00;
	vm4 =	vgt.f32 v16, $0.0e+00  }
0x31: {  	vm3 =	vmor vm4, vm3  }
0x32: {  	s13 =	sshra.s32 s12, $0x2;
	v17 =	vsel vm3, $0x1, v0  }
0x33: {  	s12 =	sadd.s32 $0x40, s12;
	v16 =	vld [tilespmem:s13+$0x800];
	v15 =	vadd.s32 v17, v15  }
0x34: {  	_ =	sdelay $0x3  }
0x35: {  	vm3 =	vlt.f32 v16, $0.0e+00;
	vm4 =	vgt.f32 v16, $0.0e+00  }
0x36: {  	vm3 =	vmor vm4, vm3  }
0x37: {  	v16 =	vsel vm3, $0x1, v0  }
0x38: {  	v15 =	vadd.s32 v16, v15  }
0x39: {  	v16 =	vperm.xlane v15, v1;
	_ =	sdelay $0x1  }
0x3a: {  	v15 =	vadd.s32 v15, v16  }
0x3b: {  	v16 =	vperm.xlane v15, v3;
	_ =	sdelay $0x1  }
0x3c: {  	v15 =	vadd.s32 v16, v15  }
0x3d: {  	s12 =	simm.s32 $0x0;
	v16 =	vperm.xlane v15, v4  }
0x3e: {  	v17 =	vld [tilespmem:s12+$0x0]  }
0x3f: {  	v15 =	vadd.s32 v16, v15  }
0x40: {  	v16 =	vperm.xlane v15, v5;
	_ =	sdelay $0x1  }
0x41: {  	v16 =	vadd.s32 v16, v15  }
0x42: {  	v19 =	vmov s12;
	v18 =	vshra.s32 v17, $0x1F;
	v15 =	vadd.s32 v6, v16  }
0x43: {  	vm3 =	veq.s32 v19, v2;
	v18 =	vand.u32 $0x7FFFFFFF, v18;
	vm15 =	veq.s32 v19, v15  }
0x44: {  	v17 =	vxor.u32 v17, v18;
	vm3 =	vmor vm3, vm15  }
0x45: {  	s12 =	simm.s32 $0x1000;
	v17 =	vsel vm3, $0x80000000, v17  }
0x46: {  	s13 =	simm.s32 $0x10;
	[tilespmem:s12+$0x0] =	vst v17  }
0x47: {  	s14 =	simm.s32 $0x20;
	s15 =	simm.s32 $0x10;
	v17 =	vld [tilespmem:s13+$0x0]  }
.LBB2_5:
0x48: {  	p0 =	sne.s32 s14, $0x7F0;
	_ =	sdelay $0x3  }
0x49: {  	v19 =	vmov s13;
	s13 =	smov.u32 s14;
	v18 =	vshra.s32 v17, $0x1F  }
.Ltmp2:
0x4a: {  	vm3 =	veq.s32 v19, v2;
	vm4 =	veq.s32 v19, v15;
	v18 =	vand.u32 $0x7FFFFFFF, v18;
	(pc) =	sbr.rel @p0 .LBB2_5-.Ltmp2, $4  }
0x4b: {  	vm3 =	vmor vm3, vm4;
	v17 =	vxor.u32 v17, v18  }
0x4c: {  	s12 =	sadd.s32 $0x10, s12;
	v17 =	vsel vm3, $0x80000000, v17  }
0x4d: {  	s15 =	sadd.s32 $0x10, s15;
	[tilespmem:s12+$0x0] =	vst v17  }
0x4e: {  	s14 =	sadd.s32 $0x10, s14;
	v17 =	vld [tilespmem:s15+$0x0]  }
0x4f: {  	_ =	sdelay $0x2  }
0x50: {  	v16 =	vcvt.s32.f32 v16;
	v19 =	vmov s13  }
0x51: {  	vm3 =	veq.s32 v19, v2;
	v18 =	vshra.s32 v17, $0x1F  }
0x52: {  	vm4 =	veq.s32 v19, v15;
	v16 =	vmul.f32 $4.000000060e-01, v16;
	v18 =	vand.u32 $0x7FFFFFFF, v18  }
0x53: {  	vm3 =	vmor vm3, vm4;
	v17 =	vxor.u32 v17, v18  }
0x54: {  	s12 =	sadd.s32 $0x10, s12;
	v16 =	vtrunc.f32 v16;
	v17 =	vsel vm3, $0x80000000, v17  }
0x55: {  	v18 =	vcvt.f32.s32 v16;
	v16 =	vimm.s32 $0x0;
	[tilespmem:s12+$0x0] =	vst v17;
	s12 =	simm.s32 $0x0  }
.LBB2_7:
0x56: {  	s13 =	sshrl.u32 s9, s12;
	s14 =	simm.s32 $0x0  }
0x57: {  	v17 =	vor.u32 s13, v16;
	v21 =	vld [tilespmem:s14+$0x1000]  }
0x58: {  	v20 =	vimm.s32 $0x0;
	s13 =	simm.s32 $0x40;
	v19 =	vxor.u32 $0x80000000, v17  }
.LBB2_8:
0x59: {  	p0 =	sne.s32 s13, $0x1FC0  }
.Ltmp3:
0x5a: {  	_ = 	snop;
	(pc) =	sbr.rel @p0 .LBB2_8-.Ltmp3, $4  }
0x5b: {  	_ = 	snop  }
0x5c: {  	s14 =	sshra.s32 s13, $0x2;
	s13 =	sadd.s32 $0x40, s13;
	vm3 =	vge.s32 v21, v19  }
0x5d: {  	v21 =	vld [tilespmem:s14+$0x1000];
	v22 =	vsel vm3, $0x1, v0  }
0x5e: {  	v20 =	vadd.s32 v22, v20  }
0x5f: {  	_ =	sdelay $0x2  }
0x60: {  	vm3 =	vge.s32 v21, v19  }
0x61: {  	v19 =	vsel vm3, $0x1, v0  }
0x62: {  	v19 =	vadd.s32 v19, v20  }
0x63: {  	v20 =	vperm.xlane v19, v1;
	_ =	sdelay $0x1  }
0x64: {  	v19 =	vadd.s32 v19, v20  }
0x65: {  	v20 =	vperm.xlane v19, v3;
	_ =	sdelay $0x1  }
0x66: {  	v19 =	vadd.s32 v20, v19  }
0x67: {  	v20 =	vperm.xlane v19, v4  }
0x68: {  	s12 =	sadd.s32 $0x1, s12  }
0x69: {  	p0 =	sne.s32 s12, $0x20;
	v19 =	vadd.s32 v20, v19  }
.Ltmp4:
0x6a: {  	v20 =	vperm.xlane v19, v5;
	(pc) =	sbr.rel @p0 .LBB2_7-.Ltmp4, $4  }
0x6b: {  	_ = 	snop  }
0x6c: {  	v19 =	vadd.s32 v20, v19  }
0x6d: {  	vm3 =	vlt.s32 v19, v18  }
0x6e: {  	v16 =	vsel vm3, v16, v17  }
0x6f: {  	s13 =	simm.s32 $0x0  }
0x70: {  	v20 =	vld [tilespmem:s13+$0x1000]  }
0x71: {  	v16 =	vxor.u32 $0x80000000, v16;
	v17 =	vimm.s32 $0x0;
	s12 =	simm.s32 $0x40;
	v19 =	vimm.s32 $0x0  }
.LBB2_11:
0x72: {  	p0 =	sne.s32 s12, $0x1FC0  }
.Ltmp5:
0x73: {  	_ = 	snop;
	(pc) =	sbr.rel @p0 .LBB2_11-.Ltmp5, $4  }
0x74: {  	_ = 	snop  }
0x75: {  	s13 =	sshra.s32 s12, $0x2;
	s12 =	sadd.s32 $0x40, s12;
	vm3 =	vgt.s32 v20, v16;
	vm4 =	vne.s32 v20, $0x80000000  }
0x76: {  	v20 =	vld [tilespmem:s13+$0x1000];
	v21 =	vsel vm3, $0x1, v0;
	v22 =	vsel vm4, $0x1, v0  }
0x77: {  	v17 =	vadd.s32 v21, v17;
	v19 =	vadd.s32 v22, v19  }
0x78: {  	s12 =	simm.s32 $0x1000  }
0x79: {  	v21 =	vld [tilespmem:s12+$0x0];
	_ =	sdelay $0x4  }
0x7a: {  	vm3 =	vgt.s32 v20, v16;
	vm4 =	veq.s32 v21, v16  }
0x7b: {  	vm5 =	vne.s32 v20, $0x80000000;
	v20 =	vsel vm3, $0x1, v0;
	v22 =	vsel vm4, $0x1, v0  }
0x7c: {  	v23 =	vsel vm5, $0x1, v0;
	v17 =	vadd.s32 v20, v17;
	v20 =	vperm.xlane v22, v8  }
0x7d: {  	vm3 =	veq.s32 v2, $0x0;
	v19 =	vadd.s32 v23, v19;
	v23 =	vperm.xlane v17, v1  }
0x7e: {  	v24 =	vperm.xlane v19, v1;
	v20 =	vsel vm3, $0x0, v20  }
0x7f: {  	v17 =	vadd.s32 v17, v23;
	v20 =	vadd.s32 v22, v20  }
0x80: {  	v19 =	vadd.s32 v19, v24;
	v23 =	vperm.xlane v17, v7;
	v58 =	vperm.xlane v20, v10  }
0x81: {  	v25 =	vperm.xlane v19, v7  }
0x82: {  	v17 =	vadd.s32 v23, v17;
	v23 =	vsel vm0, $0x0, v58  }
0x83: {  	v26 =	vperm.xlane v22, v1;
	v19 =	vadd.s32 v25, v19;
	v20 =	vadd.s32 v23, v20  }
0x84: {  	v23 =	vperm.xlane v19, v9;
	v60 =	vperm.xlane v20, v11  }
0x85: {  	v22 =	vadd.s32 v22, v26  }
0x86: {  	v59 =	vperm.xlane v17, v9;
	v19 =	vadd.s32 v23, v19;
	v23 =	vsel vm1, $0x0, v60  }
0x87: {  	v26 =	vperm.xlane v22, v3;
	v20 =	vadd.s32 v23, v20  }
0x88: {  	v17 =	vadd.s32 v59, v17;
	v61 =	vperm.xlane v19, v12;
	v23 =	vperm.xlane v20, v13  }
0x89: {  	v63 =	vimm.s32 $0x0;
	v24 =	vperm.xlane v17, v12  }
0x8a: {  	v22 =	vadd.s32 v26, v22;
	v62 =	vsub.s32 $0x0, v61;
	v23 =	vsel vm2, $0x0, v23  }
0x8b: {  	v17 =	vadd.s32 v17, v24;
	vm5 =	veq.s32 v19, v62;
	v19 =	vadd.s32 v63, v23  }
0x8c: {  	s13 =	simm.s32 $0x0;
	v17 =	vsub.s32 v18, v17;
	v23 =	vperm.xlane v22, v4;
	v19 =	vadd.s32 v20, v19  }
0x8d: {  	s12 =	simm.s32 $0x800;
	v20 =	vmov s13;
	vm6 =	vle.s32 v19, v17  }
0x8e: {  	vm7 =	veq.s32 v20, v2;
	v19 =	vld [tilespmem:s12+$0x0];
	vm8 =	veq.s32 v20, v15;
	v20 =	vadd.s32 v23, v22  }
0x8f: {  	vm4 =	vmand vm4, vm6;
	vm6 =	vgt.s32 v21, v16;
	vm7 =	vmor vm7, vm8  }
0x90: {  	vm4 =	vmor vm6, vm4;
	vm6 =	vlt.s32 v18, $0x1;
	v18 =	vperm.xlane v20, v5  }
0x91: {  	vm7 =	vmor vm7, vm4  }
0x92: {  	vm4 =	vmor vm6, vm5;
	v21 =	vsel vm7, $0x3F800000, v14;
	v18 =	vadd.s32 v63, v18  }
0x93: {  	s13 =	simm.s32 $0x1800;
	v19 =	vsel vm4, v19, v21  }
0x94: {  	s15 =	simm.s32 $0x1010;
	v20 =	vadd.s32 v20, v18;
	[tilespmem:s13+$0x0] =	vst v19  }
0x95: {  	s14 =	simm.s32 $0x10;
	s16 =	simm.s32 $0x20;
	v19 =	vld [tilespmem:s15+$0x0];
	v18 =	vmov v20  }
.LBB2_13:
0x96: {  	p0 =	sne.s32 s16, $0x7F0;
	_ =	sdelay $0x3  }
0x97: {  	vm5 =	veq.s32 v19, v16  }
0x98: {  	v21 =	vsel vm5, $0x1, v0  }
0x99: {  	v22 =	vperm.xlane v21, v8;
	v23 =	vperm.xlane v21, v1;
	_ =	sdelay $0x1  }
0x9a: {  	v22 =	vsel vm3, $0x0, v22;
	v23 =	vadd.s32 v21, v23  }
0x9b: {  	v21 =	vadd.s32 v21, v22;
	v22 =	vperm.xlane v23, v3  }
0x9c: {  	v24 =	vperm.xlane v21, v10  }
0x9d: {  	v22 =	vadd.s32 v22, v23  }
0x9e: {  	v23 =	vsel vm0, $0x0, v24;
	v24 =	vperm.xlane v22, v4  }
0x9f: {  	v21 =	vadd.s32 v23, v21  }
0xa0: {  	v23 =	vperm.xlane v21, v11;
	v22 =	vadd.s32 v24, v22  }
0xa1: {  	v24 =	vperm.xlane v22, v5  }
0xa2: {  	v23 =	vsel vm1, $0x0, v23  }
0xa3: {  	v21 =	vadd.s32 v23, v21;
	v20 =	vadd.s32 v20, v24  }
0xa4: {  	v23 =	vperm.xlane v21, v13;
	v20 =	vadd.s32 v22, v20;
	_ =	sdelay $0x1  }
0xa5: {  	v22 =	vsel vm2, $0x0, v23  }
0xa6: {  	v22 =	vadd.s32 v18, v22;
	v18 =	vmov v20  }
0xa7: {  	s12 =	sadd.s32 $0x10, s12;
	v21 =	vadd.s32 v21, v22;
	v22 =	vmov s14;
	s14 =	smov.u32 s16  }
0xa8: {  	vm6 =	vle.s32 v21, v17;
	vm7 =	veq.s32 v22, v2;
	v21 =	vld [tilespmem:s12+$0x0]  }
0xa9: {  	vm8 =	vgt.s32 v19, v16;
	vm5 =	vmand vm5, vm6;
	vm6 =	veq.s32 v22, v15  }
0xaa: {  	vm6 =	vmor vm7, vm6;
	vm5 =	vmor vm8, vm5  }
.Ltmp6:
0xab: {  	vm5 =	vmor vm6, vm5;
	(pc) =	sbr.rel @p0 .LBB2_13-.Ltmp6, $4  }
0xac: {  	v19 =	vsel vm5, $0x3F800000, v14  }
0xad: {  	s13 =	sadd.s32 $0x10, s13;
	v19 =	vsel vm4, v21, v19  }
0xae: {  	s15 =	sadd.s32 $0x10, s15;
	[tilespmem:s13+$0x0] =	vst v19  }
0xaf: {  	s16 =	sadd.s32 $0x10, s16;
	v19 =	vld [tilespmem:s15+$0x0]  }
0xb0: {  	_ =	sdelay $0x3  }
0xb1: {  	vm3 =	veq.s32 v19, v16  }
0xb2: {  	v20 =	vsel vm3, $0x1, v0  }
0xb3: {  	v21 =	vperm.xlane v20, v8  }
0xb4: {  	vm5 =	veq.s32 v2, $0x0  }
0xb5: {  	v21 =	vsel vm5, $0x0, v21  }
0xb6: {  	v20 =	vadd.s32 v20, v21  }
0xb7: {  	v21 =	vperm.xlane v20, v10;
	_ =	sdelay $0x1  }
0xb8: {  	v21 =	vsel vm0, $0x0, v21  }
0xb9: {  	v20 =	vadd.s32 v21, v20  }
0xba: {  	v21 =	vperm.xlane v20, v11;
	_ =	sdelay $0x1  }
0xbb: {  	v21 =	vsel vm1, $0x0, v21  }
0xbc: {  	v20 =	vadd.s32 v21, v20  }
0xbd: {  	v21 =	vperm.xlane v20, v13;
	_ =	sdelay $0x1  }
0xbe: {  	v21 =	vsel vm2, $0x0, v21  }
0xbf: {  	v18 =	vadd.s32 v18, v21  }
0xc0: {  	v62 =	vmov s14;
	s12 =	sadd.s32 $0x10, s12;
	v18 =	vadd.s32 v20, v18  }
0xc1: {  	vm6 =	veq.s32 v62, v2;
	v63 =	vld [tilespmem:s12+$0x0];
	vm14 =	vle.s32 v18, v17  }
0xc2: {  	vm15 =	veq.s32 v62, v15;
	vm7 =	vgt.s32 v19, v16;
	vm3 =	vmand vm3, vm14  }
0xc3: {  	vm5 =	vmor vm6, vm15;
	vm3 =	vmor vm7, vm3  }
0xc4: {  	vm3 =	vmor vm5, vm3  }
0xc5: {  	s11 =	sadd.s32 $0x1, s11;
	v15 =	vsel vm3, $0x3F800000, v14  }
0xc6: {  	s31 =	sadd.s32 $0x10, s13;
	p0 =	sne.s32 s11, s6;
	v15 =	vsel vm4, v63, v15  }
.Ltmp7:
0xc7: {  	[tilespmem:s31+$0x0] =	vst v15;
	(pc) =	sbr.rel @p0 .LBB2_2-.Ltmp7, $4  }
0xc8: {  	[hbm4b:s5+s2] =	stream.linear.scatter [tilespmem:s10], [sflag:$0x1], $0x800, $0x38;
	[tilespmem:$0x2000] =	vst v63  }
0xc9: {  	_ =	swait.ge [sflag:s7], $0x800  }
0xca: {  	[sflag:s7] =	ssyncset.done $0x0  }
0xcb: {  	[sflag:s7] =	ssyncadd.s32 $0xFFFFF800  }
.LBB2_15:
0xcc: {  	_ =	sfence.sel $0x180000  }
0xcd: {  	[bflag:$0x0] =	sbarrier.arrive $0xFFFF  }
0xce: {  	p0 =	sne.s32 s1, $0x0;
	_ =	strace $0x9000004A  }
0xcf: {  	s0 =	sadd.s32 @!p0 $0x100000, s0;
	[bflag:$0x2] =	sbarrier.arrive $0xFFFF  }
0xd0: {  	[sflag:s0] =	ssyncadd.tile.s32 @!p0 $0x1;
	_ =	shalt  }
.Lfunc_end2:
_tile_overlayer_lowered:
.L_overlay_start_2:
0xd1: {  	(tag) =	ssettag $0x2  }
0xd2: {  	s0 =	rddreg [dreg:$0x0];
	s2 =	stileid.u32  }
0xd3: {  	s1 =	rddreg [dreg:$0x1];
	p0 =	sne.s32 s2, $0x0  }
0xd4: {  	s3 =	rddreg [dreg:$0x2];
	[bflag:$0x3] =	sbarrier.arrive $0xFFFF;
	s2 =	simm.s32 @!p0 $0x1C01  }
0xd5: {  	[timem:s3], [sflag:s2] =	dma.local @!p0 [hbm:s0], s1  }
0xd6: {  	s0 =	simm.s32 @!p0 $0x1  }
0xd7: {  	_ =	swait.ge @!p0 [sflag:s0], s1  }
0xd8: {  	s1 =	ssub.s32 @!p0 $0x0, s1;
	[sflag:s0] =	ssyncset.done @!p0 $0x0  }
0xd9: {  	[sflag:s0] =	ssyncadd.s32 @!p0 s1  }
0xda: {  	[bflag:$0x3] =	sbarrier.arrive $0xFFFF  }
0xdb: {  	_ =	shalt  }

// kernel: kernel.9.cloned.1.call-start
scs
__scs_entry_jumppad:
0x0: {  	(pc) =	sbr.rel $0x88, $3  }
0x1: {  	(tag) =	ssettag $0x0;
	lr =	simm.s32 $0x1  }
0x2: {  	[smem:$0x3F9F] =	sst lr;
	_ =	strace $0xD0000000  }
0x3: {  	_ = 	snop  }
0x4: {  	_ = 	snop  }
0x5: {  	_ = 	snop  }
0x6: {  	_ = 	snop  }
0x7: {  	_ = 	snop  }
__scs_overlays_trampoline_lowered:
0x8: {  	[smem:$0x3FAE] =	sst s0  }
0x9: {  	[smem:$0x3FAF] =	sst s1  }
0xa: {  	[smem:$0x3FB0] =	sst s2  }
0xb: {  	[smem:$0x3FB1] =	sst s3  }
0xc: {  	[smem:$0x3FB2] =	sst s4  }
0xd: {  	[smem:$0x3FB3] =	sst s5  }
0xe: {  	[smem:$0x3FB4] =	sst s6  }
0xf: {  	[smem:$0x3FB5] =	sst s7  }
0x10: {  	[smem:$0x3FB6] =	sst s8  }
0x11: {  	[smem:$0x3FB7] =	sst s9;
	s0 =	simm.s32 @!p0 $0x0  }
0x12: {  	s1 =	sld [smem:$0x3F9D];
	s0 =	simm.s32 @p0 $0x1  }
0x13: {  	[smem:$0x3FB8] =	sst s0;
	s0 =	simm.s32 @!p1 $0x0  }
0x14: {  	s2 =	sld [smem:$0x3F9C];
	s0 =	simm.s32 @p1 $0x1  }
0x15: {  	[smem:$0x3FB9] =	sst s0;
	s0 =	simm.s32 @!p2 $0x0  }
0x16: {  	s3 =	sld [smem:$0x3FDB];
	s0 =	simm.s32 @p2 $0x1  }
0x17: {  	s4 =	simm.s32 $0x1BF5;
	[smem:$0x3FBB] =	sst s0  }
0x18: {  	s0 =	sld [smem:$0x3F9E];
	_ =	swait.ge [sflag:s4], $0x0  }
0x19: {  	s7 =	sld [smem:$0x3F9F]  }
0x1a: {  	s8 =	sadd.s32 $0xFFFFE003, lr  }
0x1b: {  	s9 =	sadd.s32 $0xFFFFFEF7, lr;
	s5 =	simm.s32 $0xFFFFFFFF;
	p2 =	slt.u32 s8, $0xFFFFF086  }
0x1c: {  	p1 =	slt.u32 s9, $0xF7A;
	s5 =	simm.s32 @!p2 $0x0  }
0x1d: {  	s5 =	simm.s32 @p1 $0x1;
	p0 =	seq.s32 s7, s2  }
0x1e: {  	s7 =	smul.u32 @!p0 $0xF7A, s2;
	p2 =	seq.s32 @!p0 s5, $0x0  }
0x1f: {  	s9 =	smul.u32 $0xF7A, s1;
	s8 =	simm.s32 @!p0 $0x1BF5;
	p2 =	por !p2, p0  }
0x20: {  	[sflag:s8] =	ssyncset.s32 @!p0 $0xFFFFF086;
	s6 =	sadd.s32 @!p0 s3, s7;
	s7 =	simm.s32 @!p0 $0x108  }
0x21: {  	s3 =	sadd.s32 s3, s9;
	s6 =	sadd.s32 @!p0 $0x88, s6;
	s7 =	simm.s32 @p2 $0x1082  }
0x22: {  	[simem:s7], [sflag:s8] =	dma.local @!p0 [hbm:s6], $0xF7A  }
0x23: {  	s9 =	sor.u32 $0xD0000000, s2;
	s6 =	simm.s32 $0x108;
	_ =	swait.ge @!p0 [sflag:s8], $0x0  }
0x24: {  	s3 =	sadd.s32 $0x88, s3;
	s6 =	simm.s32 @!p1 $0x1082;
	[sflag:s4] =	ssyncset.s32 $0xFFFFF086  }
0x25: {  	[simem:s6], [sflag:s4] =	dma.local [hbm:s3], $0xF7A  }
0x26: {  	[smem:$0x3F9F] =	sst s1;
	(tag) =	ssettag s2;
	_ =	strace s9  }
0x27: {  	s1 =	sld [smem:$0x3FAF]  }
0x28: {  	s2 =	sld [smem:$0x3FB0]  }
0x29: {  	s4 =	sld [smem:$0x3FB2]  }
0x2a: {  	p0 =	seq.s32 s5, $0x0;
	s5 =	sld [smem:$0x3FB3]  }
0x2b: {  	s6 =	sld [smem:$0x3FB4]  }
0x2c: {  	s7 =	sld [smem:$0x3FB5]  }
0x2d: {  	s3 =	simm.s32 $0x108;
	s8 =	sld [smem:$0x3FB6]  }
0x2e: {  	s3 =	simm.s32 @!p0 $0x1082;
	s9 =	sld [smem:$0x3FB7]  }
0x2f: {  	lr =	sadd.s32 s0, s3;
	s0 =	sld [smem:$0x3FAE]  }
0x30: {  	s3 =	sld [smem:$0x3FB1]  }
0x31: {  	[smem:$0x3FBA] =	sst s10  }
0x32: {  	s10 =	sld [smem:$0x3FB8];
	_ =	sdelay $0x3  }
0x33: {  	p0 =	seq.s32 s10, $0x1;
	s10 =	sld [smem:$0x3FBA];
	_ =	sdelay $0x3  }
0x34: {  	[smem:$0x3FBA] =	sst s10  }
0x35: {  	s10 =	sld [smem:$0x3FB9];
	_ =	sdelay $0x3  }
0x36: {  	p1 =	seq.s32 s10, $0x1;
	s10 =	sld [smem:$0x3FBA];
	_ =	sdelay $0x3  }
0x37: {  	[smem:$0x3FBA] =	sst s10  }
0x38: {  	s10 =	sld [smem:$0x3FBB]  }
0x39: {  	_ = 	snop;
	(pc) =	sbr.ind lr, $3  }
0x3a: {  	_ = 	snop  }
0x3b: {  	_ = 	snop  }
0x3c: {  	p2 =	seq.s32 s10, $0x1;
	s10 =	sld [smem:$0x3FBA]  }
0x3d: {  	_ =	shalt  }
0x3e: {  	_ =	shalt  }
0x3f: {  	_ =	shalt  }
0x40: {  	_ =	shalt  }
0x41: {  	_ =	shalt  }
0x42: {  	_ =	shalt  }
0x43: {  	_ =	shalt  }
0x44: {  	_ =	shalt  }
0x45: {  	_ =	shalt  }
0x46: {  	_ =	shalt  }
0x47: {  	_ =	shalt  }
0x48: {  	_ =	shalt  }
0x49: {  	_ =	shalt  }
0x4a: {  	_ =	shalt  }
0x4b: {  	_ =	shalt  }
0x4c: {  	_ =	shalt  }
0x4d: {  	_ =	shalt  }
0x4e: {  	_ =	shalt  }
0x4f: {  	_ =	shalt  }
0x50: {  	_ =	shalt  }
0x51: {  	_ =	shalt  }
0x52: {  	_ =	shalt  }
0x53: {  	_ =	shalt  }
0x54: {  	_ =	shalt  }
0x55: {  	_ =	shalt  }
0x56: {  	_ =	shalt  }
0x57: {  	_ =	shalt  }
0x58: {  	_ =	shalt  }
0x59: {  	_ =	shalt  }
0x5a: {  	_ =	shalt  }
0x5b: {  	_ =	shalt  }
0x5c: {  	_ =	shalt  }
0x5d: {  	_ =	shalt  }
0x5e: {  	_ =	shalt  }
0x5f: {  	_ =	shalt  }
0x60: {  	_ =	shalt  }
0x61: {  	_ =	shalt  }
0x62: {  	_ =	shalt  }
0x63: {  	_ =	shalt  }
0x64: {  	_ =	shalt  }
0x65: {  	_ =	shalt  }
0x66: {  	_ =	shalt  }
0x67: {  	_ =	shalt  }
0x68: {  	_ =	shalt  }
0x69: {  	_ =	shalt  }
0x6a: {  	_ =	shalt  }
0x6b: {  	_ =	shalt  }
0x6c: {  	_ =	shalt  }
0x6d: {  	_ =	shalt  }
0x6e: {  	_ =	shalt  }
0x6f: {  	_ =	shalt  }
0x70: {  	_ =	shalt  }
0x71: {  	_ =	shalt  }
0x72: {  	_ =	shalt  }
0x73: {  	_ =	shalt  }
0x74: {  	_ =	shalt  }
0x75: {  	_ =	shalt  }
0x76: {  	_ =	shalt  }
0x77: {  	_ =	shalt  }
0x78: {  	_ =	shalt  }
0x79: {  	_ =	shalt  }
0x7a: {  	_ =	shalt  }
0x7b: {  	_ =	shalt  }
0x7c: {  	_ =	shalt  }
0x7d: {  	_ =	shalt  }
0x7e: {  	_ =	shalt  }
0x7f: {  	_ =	shalt  }
0x80: {  	_ =	shalt  }
0x81: {  	_ =	shalt  }
0x82: {  	_ =	shalt  }
0x83: {  	_ =	shalt  }
0x84: {  	_ =	shalt  }
0x85: {  	_ =	shalt  }
0x86: {  	_ =	shalt  }
0x87: {  	_ =	shalt  }
.Lfunc_end0:
.L_simem_size_0:
called_computation.1_lowered:
.L_overlay_start_0:
0x88: {  	s2 =	sld [smem:$0x3FD9]  }
0x89: {  	s3 =	sld [smem:$0x3FFE];
	_ =	sdelay $0x1  }
0x8a: {  	s1 =	srdreg.scid  }
0x8b: {  	s0 =	sand.u32 $0x1, s1  }
0x8c: {  	s17 =	sshll.u32 s0, $0xA;
	s2 =	sadd.s32 s3, s2  }
0x8d: {  	s2 =	sadd.s32 s2, s17  }
0x8e: {  	[smem:$0x3FC6] =	sst s2  }
0x8f: {  	_ = 	snop  }
0x90: {  	s2 =	sld [smem:$0x3FD0];
	(tm) =	ssettm $0x1  }
0x91: {  	s18 =	sld [smem:$0x3FFB];
	_ =	sdelay $0x3  }
0x92: {  	_ =	strace s18  }
0x93: {  	s3 =	sld [smem:$0x3FFC];
	_ =	sdelay $0x3  }
0x94: {  	_ =	strace s3  }
0x95: {  	s3 =	sld [smem:$0x3FFD];
	_ =	sdelay $0x3  }
0x96: {  	_ =	strace s3  }
0x97: {  	_ =	strace $0x8FFFFFFF  }
0x98: {  	s19 =	sld [smem:$0x3FDB];
	_ =	sdelay $0x1  }
0x99: {  	s4 =	simm.s32 $_scs_section_size  }
0x9a: {  	s5 =	simm.s32 $_size__tile_overlayer_lowered;
	s6 =	simm.s32 $_tile_overlayer_lowered  }
0x9b: {  	s22 =	simm.s32 $0x1BFF;
	s21 =	sshll.u32 s6, $0x1;
	s3 =	sadd.s32 s4, s19  }
0x9c: {  	s7 =	simm.s32 $0x0;
	s20 =	sshll.u32 s5, $0x1;
	s5 =	sadd.s32 s21, s3  }
0x9d: {  	[timem:s7], [sflag:s22] =	dma.local [hbm:s5], s20  }
0x9e: {  	_ =	swait.ge [sflag:s22], s20  }
0x9f: {  	s4 =	ssub.s32 $0x0, s20;
	[sflag:s22] =	ssyncset.done $0x0  }
0xa0: {  	[sflag:s22] =	ssyncadd.s32 s4;
	_ =	sdelay $0x1  }
0xa1: {  	s23 =	simm.s32 $0x1B8B  }
0xa2: {  	_ =	swait.ge [sflag:s23], $0x1  }
0xa3: {  	[sflag:s23] =	ssyncset.done $0x0  }
0xa4: {  	s25 =	simm.s32 $0x1B8E;
	s24 =	sld [smem:$0x3FFE];
	[sflag:s23] =	ssyncadd.s32 $0xFFFFFFFF  }
0xa5: {  	s26 =	simm.s32 $execute0_lowered;
	[smem:$0x3FD2] =	sst s25  }
0xa6: {  	s5 =	sshll.u32 s26, $0x1;
	_ =	strace $0x80000046;
	[dreg:$0x1] =	wrdreg $0xFFFFFFFF  }
0xa7: {  	s28 =	simm.s32 $_size_execute0_lowered;
	s3 =	sadd.s32 s3, s5;
	[dreg:$0x0] =	wrdreg $0x0  }
0xa8: {  	s5 =	sshll.u32 s28, $0x1;
	[dreg:$0x2] =	wrdreg s3  }
0xa9: {  	[dreg:$0x3] =	wrdreg s5  }
0xaa: {  	[dreg:$0x4] =	wrdreg $0xC0  }
0xab: {  	_ =	task [dreg:s7], $0x5FFFF  }
0xac: {  	[dreg:$0x1] =	wrdreg $0xFFFFFFFF  }
0xad: {  	[dreg:$0x0] =	wrdreg $0x60  }
0xae: {  	[dreg:$0x2] =	wrdreg s2  }
0xaf: {  	[dreg:$0x3] =	wrdreg s24  }
0xb0: {  	[dreg:$0x4] =	wrdreg $0xA  }
0xb1: {  	_ =	task.clear_ibuf [dreg:s7], $0x5FFFF;
	_ =	strace $0x90000046  }
0xb2: {  	s29 =	simm.s32 $0xA;
	_ =	strace $0x80000048  }
0xb3: {  	_ =	swait.ge [sflag:s29], $0x1  }
0xb4: {  	[sflag:s29] =	ssyncadd.s32 $0xFFFFFFFF  }
0xb5: {  	_ =	strace $0x90000048  }
0xb6: {  	_ =	sfence  }
0xb7: {  	s30 =	sld [smem:$0x0];
	_ =	sdelay $0x2  }
0xb8: {  	s31 =	sshll.u32 s1, $0xD;
	s1 =	sshrl.u32 s1, $0x2  }
0xb9: {  	s3 =	sand.u32 $0x4000, s31;
	s1 =	sadd.s32 s1, s30  }
0xba: {  	s0 =	sor.u32 s3, s0;
	s1 =	sshll.u32 s1, $0x11  }
0xbb: {  	s0 =	sor.u32 s1, s0  }
0xbc: {  	s0 =	sadd.s32 $0x8F2B, s0  }
0xbd: {  	[sflag:s0] =	ssyncadd.remote.s32 $0x1  }
0xbe: {  	_ =	sfence.sel $0xFFFF  }
0xbf: {  	[dreg:$0x0] =	wrdreg $0xFFFFFFFF;
	(pc) =	sbr.abs _section_cstart, $3  }
0xc0: {  	[dreg:$0x1] =	wrdreg $0xFFFFFFFF  }
0xc1: {  	_ =	task.clear_ibuf [dreg:s7], $0x2FFFF;
	_ =	strace $0x9FFFFFFF  }
0xc2: {  	(tm) =	ssettm $0x7FFFFFFF  }
0xc3: {  	_ =	shalt  }
tec
execute0_lowered:
.L_overlay_start_1:
0x0: {  	(tag) =	ssettag $0x1  }
0x1: {  	s0 =	srdreg.scid  }
0x2: {  	s1 =	stileid.u32;
	s4 =	sand.u32 $0x1, s0  }
0x3: {  	s6 =	sor.u32 s4, s1  }
0x4: {  	p0 =	sne.s32 s6, $0x0  }
.Ltmp0:
0x5: {  	_ = 	snop;
	(pc) =	sbr.rel @p0 .LBB2_15-.Ltmp0, $4  }
0x6: {  	s2 =	rddreg [dreg:$0x0]  }
0x7: {  	s5 =	rddreg [dreg:$0x1];
	s3 =	simm.s32 $0x0  }
0x8: {  	[smem:$0x7FF] =	sst s3  }
0x9: {  	s0 =	rddreg [dreg:$0x2];
	_ =	strace $0x80000047  }
0xa: {  	v0 =	vimm.s32 $0xFEDCBA98  }
0xb: {  	v1 =	vimm.s32 $0x76543210;
	v3 =	vimm.s32 $0x32107654;
	v4 =	vimm.s32 $0xDCFE98BA  }
0xc: {  	v5 =	vimm.s32 $0x54761032;
	v6 =	vimm.s32 $0xEFCDAB89;
	v0 =	vunpack.c.l.s4.s8 v0  }
0xd: {  	v7 =	vimm.s32 $0x67452301;
	v9 =	vimm.s32 $0xEDCBA987;
	v1 =	vunpack.c.l.s4.s8 v1  }
0xe: {  	v10 =	vimm.s32 $0x65432100;
	v11 =	vimm.s32 $0xDCBA9876;
	v0 =	vunpack.c.0.s8.s32 v0  }
0xf: {  	v12 =	vimm.s32 $0xBA987654;
	v13 =	vimm.s32 $0x32100000;
	v1 =	vunpack.c.0.s8.s32 v1  }
0x10: {  	v14 =	vimm.s32 $0xE40000;
	vm0 =	vmmov $0x3;
	v2 =	vand.u32 $0xF, v0  }
0x11: {  	vm1 =	vmmov $0xf;
	v1 =	vcombine.low v2, v1;
	v2 =	vimm.s32 $0xBA98FEDC  }
0x12: {  	vm2 =	vcmask $0x3F30;
	v3 =	vunpack.c.l.s4.s8 v3;
	v2 =	vunpack.c.l.s4.s8 v2  }
0x13: {  	v4 =	vunpack.c.l.s4.s8 v4;
	v5 =	vunpack.c.l.s4.s8 v5;
	v9 =	vunpack.c.l.s4.s8 v9  }
0x14: {  	v8 =	vunpack.c.0.s8.s32 v2;
	v2 =	vunpack.c.l.s4.s8 v6;
	v6 =	vunpack.c.l.s4.s8 v7  }
0x15: {  	v3 =	vunpack.c.0.s8.s32 v3;
	v4 =	vunpack.c.0.s8.s32 v4;
	v5 =	vunpack.c.0.s8.s32 v5  }
0x16: {  	v7 =	vunpack.c.0.s8.s32 v2;
	v6 =	vunpack.c.0.s8.s32 v6;
	v2 =	vlaneseq.u32  }
0x17: {  	v10 =	vunpack.c.l.s4.s8 v10;
	v3 =	vcombine.low v3, v8;
	v8 =	vmul.u32 $0xFFFFFFFF, v2  }
0x18: {  	v11 =	vunpack.c.l.s4.s8 v11;
	v4 =	vcombine.low v5, v4;
	v5 =	vcombine.low v6, v7  }
0x19: {  	v6 =	vadd.s32 $0xFFFFFFFF, v8;
	v8 =	vunpack.c.0.s8.s32 v10;
	v10 =	vimm.s32 $0x54321000  }
0x1a: {  	v12 =	vunpack.c.l.s4.s8 v12;
	v14 =	vunpack.c.l.s2.s4 v14;
	v10 =	vunpack.c.l.s4.s8 v10  }
0x1b: {  	v13 =	vunpack.c.l.s4.s8 v13;
	v9 =	vunpack.c.0.s8.s32 v9;
	v11 =	vunpack.c.0.s8.s32 v11  }
0x1c: {  	v12 =	vunpack.c.0.s8.s32 v12;
	v14 =	vunpack.c.l.s4.s8 v14;
	v10 =	vunpack.c.0.s8.s32 v10  }
0x1d: {  	v13 =	vunpack.c.0.s8.s32 v13;
	v0 =	vimm.s32 $0x0;
	v11 =	vand.u32 $0xF, v11  }
0x1e: {  	v14 =	vunpack.c.0.s8.s32 v14;
	v10 =	vcombine.low v10, v11;
	v11 =	vand.u32 $0xF, v12  }
0x1f: {  	s6 =	ssub.s32 $0x2, s4;
	v9 =	vand.u32 $0xF, v9;
	v11 =	vcombine.low v13, v11;
	v13 =	vimm.s32 $0x7060504  }
0x20: {  	s4 =	sadd.s32 $0xE00, s5;
	s5 =	sadd.s32 $0x1000, s5;
	s8 =	simm.s32 $0x800;
	v14 =	vand.u32 $0x3, v14;
	v7 =	vand.u32 $0xF, v3;
	v13 =	vunpack.c.0.s8.s32 v13  }
0x21: {  	s9 =	simm.s32 $0x80000000;
	s10 =	simm.s32 $0x1800;
	s7 =	sshrl.u32 s6, $0x1;
	v8 =	vcombine.low v8, v9;
	v9 =	vand.u32 $0xF, v4;
	v12 =	vand.u32 $0xF, v5  }
0x22: {  	s11 =	simm.s32 $0x0;
	s6 =	ssub.s32 s6, s7;
	s7 =	simm.s32 $0x1;
	v13 =	vsel vm2, v13, v14;
	vm2 =	vmmov $0xff;
	v14 =	vimm.f32 $0.0e+00  }
.LBB2_2:
0x23: {  	s12 =	simm.s32 $0x0  }
0x24: {  	[tilespmem:s12], [sflag:$0x1] =	stream.linear.gather [hbm4b:s2+s12], $0x800, $0x38;
	[tilespmem:$0x2000] =	vst v63  }
0x25: {  	_ =	swait.ge [sflag:s7], $0x800  }
0x26: {  	[sflag:s7] =	ssyncset.done $0x0  }
0x27: {  	[sflag:s7] =	ssyncadd.s32 $0xFFFFF800  }
0x28: {  	[tilespmem:s8], [sflag:$0x1] =	stream.linear.gather [hbm4b:s4+s12], $0x800, $0x38;
	[tilespmem:$0x2000] =	vst v63  }
0x29: {  	_ =	swait.ge [sflag:s7], $0x800  }
0x2a: {  	[sflag:s7] =	ssyncset.done $0x0  }
0x2b: {  	s13 =	simm.s32 $0x0;
	[sflag:s7] =	ssyncadd.s32 $0xFFFFF800  }
0x2c: {  	v15 =	vimm.s32 $0x0;
	s12 =	simm.s32 $0x40;
	v16 =	vld [tilespmem:s13+$0x800]  }
.LBB2_3:
0x2d: {  	_ =	sdelay $0x1  }
0x2e: {  	p0 =	sne.s32 s12, $0x1FC0  }
.Ltmp1:
0x2f: {  	_ = 	snop;
	(pc) =	sbr.rel @p0 .LBB2_3-.Ltmp1, $4  }
0x30: {  	vm3 =	vlt.f32 v16, $0.0e+00;
	vm4 =	vgt.f32 v16, $0.0e+00  }
0x31: {  	vm3 =	vmor vm4, vm3  }
0x32: {  	s13 =	sshra.s32 s12, $0x2;
	v17 =	vsel vm3, $0x1, v0  }
0x33: {  	s12 =	sadd.s32 $0x40, s12;
	v16 =	vld [tilespmem:s13+$0x800];
	v15 =	vadd.s32 v17, v15  }
0x34: {  	_ =	sdelay $0x3  }
0x35: {  	vm3 =	vlt.f32 v16, $0.0e+00;
	vm4 =	vgt.f32 v16, $0.0e+00  }
0x36: {  	vm3 =	vmor vm4, vm3  }
0x37: {  	v16 =	vsel vm3, $0x1, v0  }
0x38: {  	v15 =	vadd.s32 v16, v15  }
0x39: {  	v16 =	vperm.xlane v15, v1;
	_ =	sdelay $0x1  }
0x3a: {  	v15 =	vadd.s32 v15, v16  }
0x3b: {  	v16 =	vperm.xlane v15, v3;
	_ =	sdelay $0x1  }
0x3c: {  	v15 =	vadd.s32 v16, v15  }
0x3d: {  	s12 =	simm.s32 $0x0;
	v16 =	vperm.xlane v15, v4  }
0x3e: {  	v17 =	vld [tilespmem:s12+$0x0]  }
0x3f: {  	v15 =	vadd.s32 v16, v15  }
0x40: {  	v16 =	vperm.xlane v15, v5;
	_ =	sdelay $0x1  }
0x41: {  	v16 =	vadd.s32 v16, v15  }
0x42: {  	v19 =	vmov s12;
	v18 =	vshra.s32 v17, $0x1F;
	v15 =	vadd.s32 v6, v16  }
0x43: {  	vm3 =	veq.s32 v19, v2;
	v18 =	vand.u32 $0x7FFFFFFF, v18;
	vm15 =	veq.s32 v19, v15  }
0x44: {  	v17 =	vxor.u32 v17, v18;
	vm3 =	vmor vm3, vm15  }
0x45: {  	s12 =	simm.s32 $0x1000;
	v17 =	vsel vm3, $0x80000000, v17  }
0x46: {  	s13 =	simm.s32 $0x10;
	[tilespmem:s12+$0x0] =	vst v17  }
0x47: {  	s14 =	simm.s32 $0x20;
	s15 =	simm.s32 $0x10;
	v17 =	vld [tilespmem:s13+$0x0]  }
.LBB2_5:
0x48: {  	p0 =	sne.s32 s14, $0x7F0;
	_ =	sdelay $0x3  }
0x49: {  	v19 =	vmov s13;
	s13 =	smov.u32 s14;
	v18 =	vshra.s32 v17, $0x1F  }
.Ltmp2:
0x4a: {  	vm3 =	veq.s32 v19, v2;
	vm4 =	veq.s32 v19, v15;
	v18 =	vand.u32 $0x7FFFFFFF, v18;
	(pc) =	sbr.rel @p0 .LBB2_5-.Ltmp2, $4  }
0x4b: {  	vm3 =	vmor vm3, vm4;
	v17 =	vxor.u32 v17, v18  }
0x4c: {  	s12 =	sadd.s32 $0x10, s12;
	v17 =	vsel vm3, $0x80000000, v17  }
0x4d: {  	s15 =	sadd.s32 $0x10, s15;
	[tilespmem:s12+$0x0] =	vst v17  }
0x4e: {  	s14 =	sadd.s32 $0x10, s14;
	v17 =	vld [tilespmem:s15+$0x0]  }
0x4f: {  	_ =	sdelay $0x2  }
0x50: {  	v16 =	vcvt.s32.f32 v16;
	v19 =	vmov s13  }
0x51: {  	vm3 =	veq.s32 v19, v2;
	v18 =	vshra.s32 v17, $0x1F  }
0x52: {  	vm4 =	veq.s32 v19, v15;
	v16 =	vmul.f32 $4.000000060e-01, v16;
	v18 =	vand.u32 $0x7FFFFFFF, v18  }
0x53: {  	vm3 =	vmor vm3, vm4;
	v17 =	vxor.u32 v17, v18  }
0x54: {  	s12 =	sadd.s32 $0x10, s12;
	v16 =	vtrunc.f32 v16;
	v17 =	vsel vm3, $0x80000000, v17  }
0x55: {  	v18 =	vcvt.f32.s32 v16;
	v16 =	vimm.s32 $0x0;
	[tilespmem:s12+$0x0] =	vst v17;
	s12 =	simm.s32 $0x0  }
.LBB2_7:
0x56: {  	s13 =	sshrl.u32 s9, s12;
	s14 =	simm.s32 $0x0  }
0x57: {  	v17 =	vor.u32 s13, v16;
	v21 =	vld [tilespmem:s14+$0x1000]  }
0x58: {  	v20 =	vimm.s32 $0x0;
	s13 =	simm.s32 $0x40;
	v19 =	vxor.u32 $0x80000000, v17  }
.LBB2_8:
0x59: {  	p0 =	sne.s32 s13, $0x1FC0  }
.Ltmp3:
0x5a: {  	_ = 	snop;
	(pc) =	sbr.rel @p0 .LBB2_8-.Ltmp3, $4  }
0x5b: {  	_ = 	snop  }
0x5c: {  	s14 =	sshra.s32 s13, $0x2;
	s13 =	sadd.s32 $0x40, s13;
	vm3 =	vge.s32 v21, v19  }
0x5d: {  	v21 =	vld [tilespmem:s14+$0x1000];
	v22 =	vsel vm3, $0x1, v0  }
0x5e: {  	v20 =	vadd.s32 v22, v20  }
0x5f: {  	_ =	sdelay $0x2  }
0x60: {  	vm3 =	vge.s32 v21, v19  }
0x61: {  	v19 =	vsel vm3, $0x1, v0  }
0x62: {  	v19 =	vadd.s32 v19, v20  }
0x63: {  	v20 =	vperm.xlane v19, v1;
	_ =	sdelay $0x1  }
0x64: {  	v19 =	vadd.s32 v19, v20  }
0x65: {  	v20 =	vperm.xlane v19, v3;
	_ =	sdelay $0x1  }
0x66: {  	v19 =	vadd.s32 v20, v19  }
0x67: {  	v20 =	vperm.xlane v19, v4  }
0x68: {  	s12 =	sadd.s32 $0x1, s12  }
0x69: {  	p0 =	sne.s32 s12, $0x20;
	v19 =	vadd.s32 v20, v19  }
.Ltmp4:
0x6a: {  	v20 =	vperm.xlane v19, v5;
	(pc) =	sbr.rel @p0 .LBB2_7-.Ltmp4, $4  }
0x6b: {  	_ = 	snop  }
0x6c: {  	v19 =	vadd.s32 v20, v19  }
0x6d: {  	vm3 =	vlt.s32 v19, v18  }
0x6e: {  	v16 =	vsel vm3, v16, v17  }
0x6f: {  	s13 =	simm.s32 $0x0  }
0x70: {  	v20 =	vld [tilespmem:s13+$0x1000]  }
0x71: {  	v16 =	vxor.u32 $0x80000000, v16;
	v17 =	vimm.s32 $0x0;
	s12 =	simm.s32 $0x40;
	v19 =	vimm.s32 $0x0  }
.LBB2_11:
0x72: {  	p0 =	sne.s32 s12, $0x1FC0  }
.Ltmp5:
0x73: {  	_ = 	snop;
	(pc) =	sbr.rel @p0 .LBB2_11-.Ltmp5, $4  }
0x74: {  	_ = 	snop  }
0x75: {  	s13 =	sshra.s32 s12, $0x2;
	s12 =	sadd.s32 $0x40, s12;
	vm3 =	vgt.s32 v20, v16;
	vm4 =	vne.s32 v20, $0x80000000  }
0x76: {  	v20 =	vld [tilespmem:s13+$0x1000];
	v21 =	vsel vm3, $0x1, v0;
	v22 =	vsel vm4, $0x1, v0  }
0x77: {  	v17 =	vadd.s32 v21, v17;
	v19 =	vadd.s32 v22, v19  }
0x78: {  	s12 =	simm.s32 $0x1000  }
0x79: {  	v21 =	vld [tilespmem:s12+$0x0];
	_ =	sdelay $0x4  }
0x7a: {  	vm3 =	vgt.s32 v20, v16;
	vm4 =	veq.s32 v21, v16  }
0x7b: {  	vm5 =	vne.s32 v20, $0x80000000;
	v20 =	vsel vm3, $0x1, v0;
	v22 =	vsel vm4, $0x1, v0  }
0x7c: {  	v23 =	vsel vm5, $0x1, v0;
	v17 =	vadd.s32 v20, v17;
	v20 =	vperm.xlane v22, v8  }
0x7d: {  	vm3 =	veq.s32 v2, $0x0;
	v19 =	vadd.s32 v23, v19;
	v23 =	vperm.xlane v17, v1  }
0x7e: {  	v24 =	vperm.xlane v19, v1;
	v20 =	vsel vm3, $0x0, v20  }
0x7f: {  	v17 =	vadd.s32 v17, v23;
	v20 =	vadd.s32 v22, v20  }
0x80: {  	v19 =	vadd.s32 v19, v24;
	v23 =	vperm.xlane v17, v7;
	v58 =	vperm.xlane v20, v10  }
0x81: {  	v25 =	vperm.xlane v19, v7  }
0x82: {  	v17 =	vadd.s32 v23, v17;
	v23 =	vsel vm0, $0x0, v58  }
0x83: {  	v26 =	vperm.xlane v22, v1;
	v19 =	vadd.s32 v25, v19;
	v20 =	vadd.s32 v23, v20  }
0x84: {  	v23 =	vperm.xlane v19, v9;
	v60 =	vperm.xlane v20, v11  }
0x85: {  	v22 =	vadd.s32 v22, v26  }
0x86: {  	v59 =	vperm.xlane v17, v9;
	v19 =	vadd.s32 v23, v19;
	v23 =	vsel vm1, $0x0, v60  }
0x87: {  	v26 =	vperm.xlane v22, v3;
	v20 =	vadd.s32 v23, v20  }
0x88: {  	v17 =	vadd.s32 v59, v17;
	v61 =	vperm.xlane v19, v12;
	v23 =	vperm.xlane v20, v13  }
0x89: {  	v63 =	vimm.s32 $0x0;
	v24 =	vperm.xlane v17, v12  }
0x8a: {  	v22 =	vadd.s32 v26, v22;
	v62 =	vsub.s32 $0x0, v61;
	v23 =	vsel vm2, $0x0, v23  }
0x8b: {  	v17 =	vadd.s32 v17, v24;
	vm5 =	veq.s32 v19, v62;
	v19 =	vadd.s32 v63, v23  }
0x8c: {  	s13 =	simm.s32 $0x0;
	v17 =	vsub.s32 v18, v17;
	v23 =	vperm.xlane v22, v4;
	v19 =	vadd.s32 v20, v19  }
0x8d: {  	s12 =	simm.s32 $0x800;
	v20 =	vmov s13;
	vm6 =	vle.s32 v19, v17  }
0x8e: {  	vm7 =	veq.s32 v20, v2;
	v19 =	vld [tilespmem:s12+$0x0];
	vm8 =	veq.s32 v20, v15;
	v20 =	vadd.s32 v23, v22  }
0x8f: {  	vm4 =	vmand vm4, vm6;
	vm6 =	vgt.s32 v21, v16;
	vm7 =	vmor vm7, vm8  }
0x90: {  	vm4 =	vmor vm6, vm4;
	vm6 =	vlt.s32 v18, $0x1;
	v18 =	vperm.xlane v20, v5  }
0x91: {  	vm7 =	vmor vm7, vm4  }
0x92: {  	vm4 =	vmor vm6, vm5;
	v21 =	vsel vm7, $0x3F800000, v14;
	v18 =	vadd.s32 v63, v18  }
0x93: {  	s13 =	simm.s32 $0x1800;
	v19 =	vsel vm4, v19, v21  }
0x94: {  	s15 =	simm.s32 $0x1010;
	v20 =	vadd.s32 v20, v18;
	[tilespmem:s13+$0x0] =	vst v19  }
0x95: {  	s14 =	simm.s32 $0x10;
	s16 =	simm.s32 $0x20;
	v19 =	vld [tilespmem:s15+$0x0];
	v18 =	vmov v20  }
.LBB2_13:
0x96: {  	p0 =	sne.s32 s16, $0x7F0;
	_ =	sdelay $0x3  }
0x97: {  	vm5 =	veq.s32 v19, v16  }
0x98: {  	v21 =	vsel vm5, $0x1, v0  }
0x99: {  	v22 =	vperm.xlane v21, v8;
	v23 =	vperm.xlane v21, v1;
	_ =	sdelay $0x1  }
0x9a: {  	v22 =	vsel vm3, $0x0, v22;
	v23 =	vadd.s32 v21, v23  }
0x9b: {  	v21 =	vadd.s32 v21, v22;
	v22 =	vperm.xlane v23, v3  }
0x9c: {  	v24 =	vperm.xlane v21, v10  }
0x9d: {  	v22 =	vadd.s32 v22, v23  }
0x9e: {  	v23 =	vsel vm0, $0x0, v24;
	v24 =	vperm.xlane v22, v4  }
0x9f: {  	v21 =	vadd.s32 v23, v21  }
0xa0: {  	v23 =	vperm.xlane v21, v11;
	v22 =	vadd.s32 v24, v22  }
0xa1: {  	v24 =	vperm.xlane v22, v5  }
0xa2: {  	v23 =	vsel vm1, $0x0, v23  }
0xa3: {  	v21 =	vadd.s32 v23, v21;
	v20 =	vadd.s32 v20, v24  }
0xa4: {  	v23 =	vperm.xlane v21, v13;
	v20 =	vadd.s32 v22, v20;
	_ =	sdelay $0x1  }
0xa5: {  	v22 =	vsel vm2, $0x0, v23  }
0xa6: {  	v22 =	vadd.s32 v18, v22;
	v18 =	vmov v20  }
0xa7: {  	s12 =	sadd.s32 $0x10, s12;
	v21 =	vadd.s32 v21, v22;
	v22 =	vmov s14;
	s14 =	smov.u32 s16  }
0xa8: {  	vm6 =	vle.s32 v21, v17;
	vm7 =	veq.s32 v22, v2;
	v21 =	vld [tilespmem:s12+$0x0]  }
0xa9: {  	vm8 =	vgt.s32 v19, v16;
	vm5 =	vmand vm5, vm6;
	vm6 =	veq.s32 v22, v15  }
0xaa: {  	vm6 =	vmor vm7, vm6;
	vm5 =	vmor vm8, vm5  }
.Ltmp6:
0xab: {  	vm5 =	vmor vm6, vm5;
	(pc) =	sbr.rel @p0 .LBB2_13-.Ltmp6, $4  }
0xac: {  	v19 =	vsel vm5, $0x3F800000, v14  }
0xad: {  	s13 =	sadd.s32 $0x10, s13;
	v19 =	vsel vm4, v21, v19  }
0xae: {  	s15 =	sadd.s32 $0x10, s15;
	[tilespmem:s13+$0x0] =	vst v19  }
0xaf: {  	s16 =	sadd.s32 $0x10, s16;
	v19 =	vld [tilespmem:s15+$0x0]  }
0xb0: {  	_ =	sdelay $0x3  }
0xb1: {  	vm3 =	veq.s32 v19, v16  }
0xb2: {  	v20 =	vsel vm3, $0x1, v0  }
0xb3: {  	v21 =	vperm.xlane v20, v8  }
0xb4: {  	vm5 =	veq.s32 v2, $0x0  }
0xb5: {  	v21 =	vsel vm5, $0x0, v21  }
0xb6: {  	v20 =	vadd.s32 v20, v21  }
0xb7: {  	v21 =	vperm.xlane v20, v10;
	_ =	sdelay $0x1  }
0xb8: {  	v21 =	vsel vm0, $0x0, v21  }
0xb9: {  	v20 =	vadd.s32 v21, v20  }
0xba: {  	v21 =	vperm.xlane v20, v11;
	_ =	sdelay $0x1  }
0xbb: {  	v21 =	vsel vm1, $0x0, v21  }
0xbc: {  	v20 =	vadd.s32 v21, v20  }
0xbd: {  	v21 =	vperm.xlane v20, v13;
	_ =	sdelay $0x1  }
0xbe: {  	v21 =	vsel vm2, $0x0, v21  }
0xbf: {  	v18 =	vadd.s32 v18, v21  }
0xc0: {  	v62 =	vmov s14;
	s12 =	sadd.s32 $0x10, s12;
	v18 =	vadd.s32 v20, v18  }
0xc1: {  	vm6 =	veq.s32 v62, v2;
	v63 =	vld [tilespmem:s12+$0x0];
	vm14 =	vle.s32 v18, v17  }
0xc2: {  	vm15 =	veq.s32 v62, v15;
	vm7 =	vgt.s32 v19, v16;
	vm3 =	vmand vm3, vm14  }
0xc3: {  	vm5 =	vmor vm6, vm15;
	vm3 =	vmor vm7, vm3  }
0xc4: {  	vm3 =	vmor vm5, vm3  }
0xc5: {  	s11 =	sadd.s32 $0x1, s11;
	v15 =	vsel vm3, $0x3F800000, v14  }
0xc6: {  	s31 =	sadd.s32 $0x10, s13;
	p0 =	sne.s32 s11, s6;
	v15 =	vsel vm4, v63, v15  }
.Ltmp7:
0xc7: {  	[tilespmem:s31+$0x0] =	vst v15;
	(pc) =	sbr.rel @p0 .LBB2_2-.Ltmp7, $4  }
0xc8: {  	[hbm4b:s5+s3] =	stream.linear.scatter [tilespmem:s10], [sflag:$0x1], $0x800, $0x38;
	[tilespmem:$0x2000] =	vst v63  }
0xc9: {  	_ =	swait.ge [sflag:s7], $0x800  }
0xca: {  	[sflag:s7] =	ssyncset.done $0x0  }
0xcb: {  	[sflag:s7] =	ssyncadd.s32 $0xFFFFF800  }
.LBB2_15:
0xcc: {  	_ =	sfence.sel $0x180000  }
0xcd: {  	[bflag:$0x0] =	sbarrier.arrive $0xFFFF  }
0xce: {  	p0 =	sne.s32 s1, $0x0;
	_ =	strace $0x90000047  }
0xcf: {  	s0 =	sadd.s32 @!p0 $0x100000, s0;
	[bflag:$0x2] =	sbarrier.arrive $0xFFFF  }
0xd0: {  	[sflag:s0] =	ssyncadd.tile.s32 @!p0 $0x1;
	_ =	shalt  }
.Lfunc_end2:
_tile_overlayer_lowered:
.L_overlay_start_2:
0xd1: {  	(tag) =	ssettag $0x2  }
0xd2: {  	s0 =	rddreg [dreg:$0x0];
	s2 =	stileid.u32  }
0xd3: {  	s1 =	rddreg [dreg:$0x1];
	p0 =	sne.s32 s2, $0x0  }
0xd4: {  	s3 =	rddreg [dreg:$0x2];
	[bflag:$0x3] =	sbarrier.arrive $0xFFFF;
	s2 =	simm.s32 @!p0 $0x1C01  }
0xd5: {  	[timem:s3], [sflag:s2] =	dma.local @!p0 [hbm:s0], s1  }
0xd6: {  	s0 =	simm.s32 @!p0 $0x1  }
0xd7: {  	_ =	swait.ge @!p0 [sflag:s0], s1  }
0xd8: {  	s1 =	ssub.s32 @!p0 $0x0, s1;
	[sflag:s0] =	ssyncset.done @!p0 $0x0  }
0xd9: {  	[sflag:s0] =	ssyncadd.s32 @!p0 s1  }
0xda: {  	[bflag:$0x3] =	sbarrier.arrive $0xFFFF  }
0xdb: {  	_ =	shalt  }

</sc_bundles>
